<compile_context>
chip_gen: v7x
topology: tpu7x:2x2x1
jax: 0.10.2.dev20260603
libtpu: 0.0.44.dev20260713+nightly
codegen_flags: <defaults>
</compile_context>

<pallas_src>
import functools

import jax
import jax.numpy as jnp
from jax import lax
from jax.experimental import pallas as pl
from jax.experimental.pallas import tpu as pltpu
from jax.experimental.pallas import tpu_sc as plsc

B, S = 4096, 200
D_MODEL, HIDDEN, N_CLASSES = 64, 128, 1
NUM_CORES, NUM_SUBCORES, LANES = 2, 16, 16
NW = NUM_CORES * NUM_SUBCORES
ROWS_PER_TILE = B // NW


def _pool_body(x_hbm, table_hbm, out_hbm, idx_v, rows_a, rows_b, rows_c,
               rows_d, out_v, sem_a, sem_b, sem_c, sem_d):
    wid = lax.axis_index("s") * NUM_CORES + lax.axis_index("c")
    base = wid * ROWS_PER_TILE

    pltpu.sync_copy(x_hbm.at[pl.ds(base, ROWS_PER_TILE)], idx_v)

    def issue(row, buf, sem):
        pltpu.async_copy(
            table_hbm.at[idx_v.at[row, pl.ds(0, 128)]], buf.at[pl.ds(0, 128)],
            sem,
        )
        pltpu.async_copy(
            table_hbm.at[idx_v.at[row, pl.ds(128, S - 128)]],
            buf.at[pl.ds(128, S - 128)],
            sem,
        )

    def drain(buf, sem):
        pltpu.make_async_copy(table_hbm.at[pl.ds(0, S)], buf, sem).wait()

    zero_acc = jnp.zeros((LANES,), jnp.float32)

    def accum(buf, i_out):
        def acc_body(t, accs):
            a0, a1, a2, a3 = accs
            r = [
                [buf[4 * t + k, pl.ds(j * LANES, LANES)] for j in range(4)]
                for k in range(4)
            ]
            a0 = a0 + ((r[0][0] + r[1][0]) + (r[2][0] + r[3][0]))
            a1 = a1 + ((r[0][1] + r[1][1]) + (r[2][1] + r[3][1]))
            a2 = a2 + ((r[0][2] + r[1][2]) + (r[2][2] + r[3][2]))
            a3 = a3 + ((r[0][3] + r[1][3]) + (r[2][3] + r[3][3]))
            return (a0, a1, a2, a3)

        acc = lax.fori_loop(0, S // 4, acc_body, (zero_acc,) * 4)
        for j in range(4):
            out_v[i_out, pl.ds(j * LANES, LANES)] = acc[j]

    last = ROWS_PER_TILE - 1
    bufs = (rows_a, rows_b, rows_c, rows_d)
    sems = (sem_a, sem_b, sem_c, sem_d)
    for k in range(4):
        issue(k, bufs[k], sems[k])

    def row_quad(g, carry):
        for k in range(4):
            r = 4 * g + k
            drain(bufs[k], sems[k])
            accum(bufs[k], r)
            issue(jnp.minimum(r + 4, last), bufs[k], sems[k])
        return carry

    lax.fori_loop(0, ROWS_PER_TILE // 4, row_quad, 0)
    for k in range(4):
        drain(bufs[k], sems[k])
    pltpu.sync_copy(out_v, out_hbm.at[pl.ds(base, ROWS_PER_TILE)])


_pool = functools.partial(
    pl.kernel,
    mesh=plsc.VectorSubcoreMesh(core_axis_name="c", subcore_axis_name="s"),
    out_type=jax.ShapeDtypeStruct((B, D_MODEL), jnp.float32),
    scratch_types=[
        pltpu.VMEM((ROWS_PER_TILE, S), jnp.int32),
        pltpu.VMEM((S, D_MODEL), jnp.float32),
        pltpu.VMEM((S, D_MODEL), jnp.float32),
        pltpu.VMEM((S, D_MODEL), jnp.float32),
        pltpu.VMEM((S, D_MODEL), jnp.float32),
        pltpu.VMEM((ROWS_PER_TILE, D_MODEL), jnp.float32),
        pltpu.SemaphoreType.DMA,
        pltpu.SemaphoreType.DMA,
        pltpu.SemaphoreType.DMA,
        pltpu.SemaphoreType.DMA,
    ],
    compiler_params=pltpu.CompilerParams(use_tc_tiling_on_sc=False),
)(_pool_body)


def _mlp_body(s_ref, x_ref, t0_ref, w1_ref, b1_ref, w2_ref, b2_ref,
              wh_ref, bh_ref, o_ref):
    zf = jnp.sum((x_ref[...] == 0).astype(jnp.float32), axis=1, keepdims=True)
    denom = jnp.maximum(jnp.float32(S) - zf, 1.0)
    pooled = (s_ref[...] - zf * t0_ref[...]) / denom
    h1 = jnp.dot(pooled, w1_ref[...], preferred_element_type=jnp.float32)
    h1 = jnp.maximum(h1 + b1_ref[...], 0.0)
    h2 = jnp.dot(h1, w2_ref[...], preferred_element_type=jnp.float32)
    h2 = jnp.maximum(h2 + b2_ref[...], 0.0)
    o_ref[...] = jnp.dot(h2, wh_ref[...], preferred_element_type=jnp.float32) + bh_ref[...]


_MLP_BLK = 1024


def _mlp(sums, x, table0, W1, b1, W2, b2, Wh, bh):
    grid = (B // _MLP_BLK,)
    return pl.pallas_call(
        _mlp_body,
        grid=grid,
        in_specs=[
            pl.BlockSpec((_MLP_BLK, D_MODEL), lambda i: (i, 0)),
            pl.BlockSpec((_MLP_BLK, S), lambda i: (i, 0)),
            pl.BlockSpec((1, D_MODEL), lambda i: (0, 0)),
            pl.BlockSpec((D_MODEL, HIDDEN), lambda i: (0, 0)),
            pl.BlockSpec((1, HIDDEN), lambda i: (0, 0)),
            pl.BlockSpec((HIDDEN, HIDDEN), lambda i: (0, 0)),
            pl.BlockSpec((1, HIDDEN), lambda i: (0, 0)),
            pl.BlockSpec((HIDDEN, N_CLASSES), lambda i: (0, 0)),
            pl.BlockSpec((1, N_CLASSES), lambda i: (0, 0)),
        ],
        out_specs=pl.BlockSpec((_MLP_BLK, N_CLASSES), lambda i: (i, 0)),
        out_shape=jax.ShapeDtypeStruct((B, N_CLASSES), jnp.float32),
    )(sums, x, table0, W1, b1.reshape(1, HIDDEN), W2, b2.reshape(1, HIDDEN),
      Wh, bh.reshape(1, N_CLASSES))


@jax.jit
def kernel(x, table, W1, b1, W2, b2, Wh, bh):
    sums = _pool(x, table)
    return _mlp(sums, x, table[0:1], W1, b1, W2, b2, Wh, bh)

# --- scband reference (transcript-rebuilt; emitter-appended) ---
"""Pipeline reference for scband-sstmlp-48052094108258 (READ-ONLY COPY).

The authoritative reference and input builder live on the scoring server;
editing this copy changes nothing except your own understanding.
"""

import jax, jax.numpy as jnp
import numpy as np

B, S = 4096, 200
VOCAB, D_MODEL, HIDDEN, N_CLASSES = 100000, 64, 128, 1


def setup_inputs(seed: int = 0) -> dict:
    key = jax.random.key(seed)
    ks = jax.random.split(key, 8)
    x = jax.random.randint(ks[0], (B, S), 0, VOCAB, dtype=jnp.int32)
    table = jax.random.normal(ks[1], (VOCAB, D_MODEL), dtype=jnp.float32)
    W1 = jax.random.normal(ks[2], (D_MODEL, HIDDEN), dtype=jnp.float32) * 0.05
    b1 = jnp.zeros((HIDDEN,), dtype=jnp.float32)
    W2 = jax.random.normal(ks[3], (HIDDEN, HIDDEN), dtype=jnp.float32) * 0.05
    b2 = jnp.zeros((HIDDEN,), dtype=jnp.float32)
    Wh = jax.random.normal(ks[4], (HIDDEN, N_CLASSES), dtype=jnp.float32) * 0.05
    bh = jnp.zeros((N_CLASSES,), dtype=jnp.float32)
    return {"x": x, "table": table, "W1": W1, "b1": b1, "W2": W2, "b2": b2, "Wh": Wh, "bh": bh}


def reference(x, table, W1, b1, W2, b2, Wh, bh):
    # pad mask: token id 0 is padding
    valid = (x != 0).astype(jnp.float32)  # [B, S]
    h = jnp.take(table, x, axis=0)  # [B, S, D] embedding gather
    denom = jnp.clip(jnp.sum(valid, axis=1, keepdims=True), 1.0, None)  # [B, 1]
    pooled = jnp.sum(h * valid[..., None], axis=1) / denom  # [B, D] masked mean pool
    h1 = jax.nn.relu(pooled @ W1 + b1)
    h2 = jax.nn.relu(h1 @ W2 + b2)
    return h2 @ Wh + bh  # [B, 1]

if __name__ == "__main__":
    import jax
    _d = setup_inputs()
    print(jax.jit(kernel)(*tuple(_d.values())))

</pallas_src>

<mosaic_0001>
#map = affine_map<(d0, d1) -> (0, 0)>
module attributes {stable_mosaic.version = 14 : i64} {
  func.func @_pool_body(%arg0: i32, %arg1: i32, %arg2: memref<4096x200xi32, #tpu.memory_space<hbm>>, %arg3: memref<100000x64xf32, #tpu.memory_space<hbm>>, %arg4: memref<4096x64xf32, #tpu.memory_space<hbm>>, %arg5: memref<128x200xi32, #tpu.memory_space<vmem>>, %arg6: memref<200x64xf32, #tpu.memory_space<vmem>>, %arg7: memref<200x64xf32, #tpu.memory_space<vmem>>, %arg8: memref<200x64xf32, #tpu.memory_space<vmem>>, %arg9: memref<200x64xf32, #tpu.memory_space<vmem>>, %arg10: memref<128x64xf32, #tpu.memory_space<vmem>>, %arg11: memref<!tpu.dma_semaphore, #tpu.memory_space<semaphore_mem>>, %arg12: memref<!tpu.dma_semaphore, #tpu.memory_space<semaphore_mem>>, %arg13: memref<!tpu.dma_semaphore, #tpu.memory_space<semaphore_mem>>, %arg14: memref<!tpu.dma_semaphore, #tpu.memory_space<semaphore_mem>>) attributes {dimension_semantics = [#tpu.dimension_semantics<core_parallel>, #tpu.dimension_semantics<subcore_parallel>], iteration_bounds = array<i64: 2, 16>, scalar_prefetch = 0 : i64, scratch_operands = 10 : i64, tpu.core_type = #tpu.core_type<sc_vector_subcore>, window_params = [{transform_indices = #map}, {transform_indices = #map}, {transform_indices = #map}]} {
    %mul3A = arith.constant 2 : i32
    %mul3A_0 = arith.muli %arg1, %mul3A : i32
    %add3A = arith.addi %mul3A_0, %arg0 : i32
    %mul3A_1 = arith.constant 128 : i32
    %mul3A_2 = arith.muli %add3A, %mul3A_1 : i32
    "tpu.region"() ({
      %run_scoped3A = tpu.sem_alloc : memref<!tpu.dma_semaphore, #tpu.memory_space<semaphore_mem>>
      %dma_start3A_111 = arith.constant 0 : i32
      %dma_start3A_112 = tpu.memref_slice %arg2[%mul3A_2, %dma_start3A_111] : memref<4096x200xi32, #tpu.memory_space<hbm>> -> memref<128x200xi32, #tpu.memory_space<hbm>>
      %dma_start3A_113 = arith.constant 0 : i32
      %dma_start3A_114 = tpu.memref_slice %arg2[%mul3A_2, %dma_start3A_113] : memref<4096x200xi32, #tpu.memory_space<hbm>> -> memref<128x200xi32, #tpu.memory_space<hbm>>
      tpu.enqueue_dma source(%dma_start3A_114 : memref<128x200xi32, #tpu.memory_space<hbm>>) target(%arg5 : memref<128x200xi32, #tpu.memory_space<vmem>>) target_semaphore(%run_scoped3A : memref<!tpu.dma_semaphore, #tpu.memory_space<semaphore_mem>>)
      %dma_wait3A_115 = arith.constant 0 : i32
      %dma_wait3A_116 = tpu.memref_slice %arg2[%mul3A_2, %dma_wait3A_115] : memref<4096x200xi32, #tpu.memory_space<hbm>> -> memref<128x200xi32, #tpu.memory_space<hbm>>
      %dma_wait3A_117 = arith.constant 0 : i32
      %dma_wait3A_118 = tpu.memref_slice %arg2[%mul3A_2, %dma_wait3A_117] : memref<4096x200xi32, #tpu.memory_space<hbm>> -> memref<128x200xi32, #tpu.memory_space<hbm>>
      tpu.wait_dma2 semaphore(%run_scoped3A : memref<!tpu.dma_semaphore, #tpu.memory_space<semaphore_mem>>) src(%dma_wait3A_118 : memref<128x200xi32, #tpu.memory_space<hbm>>) dst(%arg5 : memref<128x200xi32, #tpu.memory_space<vmem>>)
      tpu.yield
    }) : () -> ()
    %broadcast_in_dim3A = arith.constant 0.000000e+00 : f32
    %broadcast_in_dim3A_3 = vector.broadcast %broadcast_in_dim3A : f32 to vector<16xf32>
    %dma_start3A = arith.constant 0 : i32
    %dma_start3A_4 = arith.constant 0 : i32
    %dma_start3A_5 = arith.constant 0 : i32
    %dma_start3A_6 = tpu.memref_slice %arg6[%dma_start3A_4, %dma_start3A_5] : memref<200x64xf32, #tpu.memory_space<vmem>> -> memref<128x64xf32, #tpu.memory_space<vmem>>
    %dma_start3A_7 = arith.constant 0 : i32
    %dma_start3A_8 = tpu.memref_slice %arg5[%dma_start3A, %dma_start3A_7] : memref<128x200xi32, #tpu.memory_space<vmem>> -> memref<1x128xi32, #tpu.memory_space<vmem>>
    %dma_start3A_9 = tpu.memref_squeeze %dma_start3A_8 : memref<1x128xi32, #tpu.memory_space<vmem>> -> memref<128xi32, #tpu.memory_space<vmem>>
    %dma_start3A_10 = arith.constant 0 : i32
    %dma_start3A_11 = arith.constant 0 : i32
    %dma_start3A_12 = tpu.memref_slice %arg3[%dma_start3A_10, %dma_start3A_11] : memref<100000x64xf32, #tpu.memory_space<hbm>> -> memref<100000x64xf32, #tpu.memory_space<hbm>>
    tpu.enqueue_indirect_dma source(%dma_start3A_12 : memref<100000x64xf32, #tpu.memory_space<hbm>>) target(%dma_start3A_6 : memref<128x64xf32, #tpu.memory_space<vmem>>) offsets(%dma_start3A_9 : memref<128xi32, #tpu.memory_space<vmem>>) semaphore(%arg11 : memref<!tpu.dma_semaphore, #tpu.memory_space<semaphore_mem>>)
    %dma_start3A_13 = arith.constant 0 : i32
    %dma_start3A_14 = arith.constant 128 : i32
    %dma_start3A_15 = arith.constant 0 : i32
    %dma_start3A_16 = tpu.memref_slice %arg6[%dma_start3A_14, %dma_start3A_15] : memref<200x64xf32, #tpu.memory_space<vmem>> -> memref<72x64xf32, #tpu.memory_space<vmem>>
    %dma_start3A_17 = arith.constant 128 : i32
    %dma_start3A_18 = tpu.memref_slice %arg5[%dma_start3A_13, %dma_start3A_17] : memref<128x200xi32, #tpu.memory_space<vmem>> -> memref<1x72xi32, #tpu.memory_space<vmem>>
    %dma_start3A_19 = tpu.memref_squeeze %dma_start3A_18 : memref<1x72xi32, #tpu.memory_space<vmem>> -> memref<72xi32, #tpu.memory_space<vmem>>
    %dma_start3A_20 = arith.constant 0 : i32
    %dma_start3A_21 = arith.constant 0 : i32
    %dma_start3A_22 = tpu.memref_slice %arg3[%dma_start3A_20, %dma_start3A_21] : memref<100000x64xf32, #tpu.memory_space<hbm>> -> memref<100000x64xf32, #tpu.memory_space<hbm>>
    tpu.enqueue_indirect_dma source(%dma_start3A_22 : memref<100000x64xf32, #tpu.memory_space<hbm>>) target(%dma_start3A_16 : memref<72x64xf32, #tpu.memory_space<vmem>>) offsets(%dma_start3A_19 : memref<72xi32, #tpu.memory_space<vmem>>) semaphore(%arg11 : memref<!tpu.dma_semaphore, #tpu.memory_space<semaphore_mem>>)
    %dma_start3A_23 = arith.constant 1 : i32
    %dma_start3A_24 = arith.constant 0 : i32
    %dma_start3A_25 = arith.constant 0 : i32
    %dma_start3A_26 = tpu.memref_slice %arg7[%dma_start3A_24, %dma_start3A_25] : memref<200x64xf32, #tpu.memory_space<vmem>> -> memref<128x64xf32, #tpu.memory_space<vmem>>
    %dma_start3A_27 = arith.constant 0 : i32
    %dma_start3A_28 = tpu.memref_slice %arg5[%dma_start3A_23, %dma_start3A_27] : memref<128x200xi32, #tpu.memory_space<vmem>> -> memref<1x128xi32, #tpu.memory_space<vmem>>
    %dma_start3A_29 = tpu.memref_squeeze %dma_start3A_28 : memref<1x128xi32, #tpu.memory_space<vmem>> -> memref<128xi32, #tpu.memory_space<vmem>>
    %dma_start3A_30 = arith.constant 0 : i32
    %dma_start3A_31 = arith.constant 0 : i32
    %dma_start3A_32 = tpu.memref_slice %arg3[%dma_start3A_30, %dma_start3A_31] : memref<100000x64xf32, #tpu.memory_space<hbm>> -> memref<100000x64xf32, #tpu.memory_space<hbm>>
    tpu.enqueue_indirect_dma source(%dma_start3A_32 : memref<100000x64xf32, #tpu.memory_space<hbm>>) target(%dma_start3A_26 : memref<128x64xf32, #tpu.memory_space<vmem>>) offsets(%dma_start3A_29 : memref<128xi32, #tpu.memory_space<vmem>>) semaphore(%arg12 : memref<!tpu.dma_semaphore, #tpu.memory_space<semaphore_mem>>)
    %dma_start3A_33 = arith.constant 1 : i32
    %dma_start3A_34 = arith.constant 128 : i32
    %dma_start3A_35 = arith.constant 0 : i32
    %dma_start3A_36 = tpu.memref_slice %arg7[%dma_start3A_34, %dma_start3A_35] : memref<200x64xf32, #tpu.memory_space<vmem>> -> memref<72x64xf32, #tpu.memory_space<vmem>>
    %dma_start3A_37 = arith.constant 128 : i32
    %dma_start3A_38 = tpu.memref_slice %arg5[%dma_start3A_33, %dma_start3A_37] : memref<128x200xi32, #tpu.memory_space<vmem>> -> memref<1x72xi32, #tpu.memory_space<vmem>>
    %dma_start3A_39 = tpu.memref_squeeze %dma_start3A_38 : memref<1x72xi32, #tpu.memory_space<vmem>> -> memref<72xi32, #tpu.memory_space<vmem>>
    %dma_start3A_40 = arith.constant 0 : i32
    %dma_start3A_41 = arith.constant 0 : i32
    %dma_start3A_42 = tpu.memref_slice %arg3[%dma_start3A_40, %dma_start3A_41] : memref<100000x64xf32, #tpu.memory_space<hbm>> -> memref<100000x64xf32, #tpu.memory_space<hbm>>
    tpu.enqueue_indirect_dma source(%dma_start3A_42 : memref<100000x64xf32, #tpu.memory_space<hbm>>) target(%dma_start3A_36 : memref<72x64xf32, #tpu.memory_space<vmem>>) offsets(%dma_start3A_39 : memref<72xi32, #tpu.memory_space<vmem>>) semaphore(%arg12 : memref<!tpu.dma_semaphore, #tpu.memory_space<semaphore_mem>>)
    %dma_start3A_43 = arith.constant 2 : i32
    %dma_start3A_44 = arith.constant 0 : i32
    %dma_start3A_45 = arith.constant 0 : i32
    %dma_start3A_46 = tpu.memref_slice %arg8[%dma_start3A_44, %dma_start3A_45] : memref<200x64xf32, #tpu.memory_space<vmem>> -> memref<128x64xf32, #tpu.memory_space<vmem>>
    %dma_start3A_47 = arith.constant 0 : i32
    %dma_start3A_48 = tpu.memref_slice %arg5[%dma_start3A_43, %dma_start3A_47] : memref<128x200xi32, #tpu.memory_space<vmem>> -> memref<1x128xi32, #tpu.memory_space<vmem>>
    %dma_start3A_49 = tpu.memref_squeeze %dma_start3A_48 : memref<1x128xi32, #tpu.memory_space<vmem>> -> memref<128xi32, #tpu.memory_space<vmem>>
    %dma_start3A_50 = arith.constant 0 : i32
    %dma_start3A_51 = arith.constant 0 : i32
    %dma_start3A_52 = tpu.memref_slice %arg3[%dma_start3A_50, %dma_start3A_51] : memref<100000x64xf32, #tpu.memory_space<hbm>> -> memref<100000x64xf32, #tpu.memory_space<hbm>>
    tpu.enqueue_indirect_dma source(%dma_start3A_52 : memref<100000x64xf32, #tpu.memory_space<hbm>>) target(%dma_start3A_46 : memref<128x64xf32, #tpu.memory_space<vmem>>) offsets(%dma_start3A_49 : memref<128xi32, #tpu.memory_space<vmem>>) semaphore(%arg13 : memref<!tpu.dma_semaphore, #tpu.memory_space<semaphore_mem>>)
    %dma_start3A_53 = arith.constant 2 : i32
    %dma_start3A_54 = arith.constant 128 : i32
    %dma_start3A_55 = arith.constant 0 : i32
    %dma_start3A_56 = tpu.memref_slice %arg8[%dma_start3A_54, %dma_start3A_55] : memref<200x64xf32, #tpu.memory_space<vmem>> -> memref<72x64xf32, #tpu.memory_space<vmem>>
    %dma_start3A_57 = arith.constant 128 : i32
    %dma_start3A_58 = tpu.memref_slice %arg5[%dma_start3A_53, %dma_start3A_57] : memref<128x200xi32, #tpu.memory_space<vmem>> -> memref<1x72xi32, #tpu.memory_space<vmem>>
    %dma_start3A_59 = tpu.memref_squeeze %dma_start3A_58 : memref<1x72xi32, #tpu.memory_space<vmem>> -> memref<72xi32, #tpu.memory_space<vmem>>
    %dma_start3A_60 = arith.constant 0 : i32
    %dma_start3A_61 = arith.constant 0 : i32
    %dma_start3A_62 = tpu.memref_slice %arg3[%dma_start3A_60, %dma_start3A_61] : memref<100000x64xf32, #tpu.memory_space<hbm>> -> memref<100000x64xf32, #tpu.memory_space<hbm>>
    tpu.enqueue_indirect_dma source(%dma_start3A_62 : memref<100000x64xf32, #tpu.memory_space<hbm>>) target(%dma_start3A_56 : memref<72x64xf32, #tpu.memory_space<vmem>>) offsets(%dma_start3A_59 : memref<72xi32, #tpu.memory_space<vmem>>) semaphore(%arg13 : memref<!tpu.dma_semaphore, #tpu.memory_space<semaphore_mem>>)
    %dma_start3A_63 = arith.constant 3 : i32
    %dma_start3A_64 = arith.constant 0 : i32
    %dma_start3A_65 = arith.constant 0 : i32
    %dma_start3A_66 = tpu.memref_slice %arg9[%dma_start3A_64, %dma_start3A_65] : memref<200x64xf32, #tpu.memory_space<vmem>> -> memref<128x64xf32, #tpu.memory_space<vmem>>
    %dma_start3A_67 = arith.constant 0 : i32
    %dma_start3A_68 = tpu.memref_slice %arg5[%dma_start3A_63, %dma_start3A_67] : memref<128x200xi32, #tpu.memory_space<vmem>> -> memref<1x128xi32, #tpu.memory_space<vmem>>
    %dma_start3A_69 = tpu.memref_squeeze %dma_start3A_68 : memref<1x128xi32, #tpu.memory_space<vmem>> -> memref<128xi32, #tpu.memory_space<vmem>>
    %dma_start3A_70 = arith.constant 0 : i32
    %dma_start3A_71 = arith.constant 0 : i32
    %dma_start3A_72 = tpu.memref_slice %arg3[%dma_start3A_70, %dma_start3A_71] : memref<100000x64xf32, #tpu.memory_space<hbm>> -> memref<100000x64xf32, #tpu.memory_space<hbm>>
    tpu.enqueue_indirect_dma source(%dma_start3A_72 : memref<100000x64xf32, #tpu.memory_space<hbm>>) target(%dma_start3A_66 : memref<128x64xf32, #tpu.memory_space<vmem>>) offsets(%dma_start3A_69 : memref<128xi32, #tpu.memory_space<vmem>>) semaphore(%arg14 : memref<!tpu.dma_semaphore, #tpu.memory_space<semaphore_mem>>)
    %dma_start3A_73 = arith.constant 3 : i32
    %dma_start3A_74 = arith.constant 128 : i32
    %dma_start3A_75 = arith.constant 0 : i32
    %dma_start3A_76 = tpu.memref_slice %arg9[%dma_start3A_74, %dma_start3A_75] : memref<200x64xf32, #tpu.memory_space<vmem>> -> memref<72x64xf32, #tpu.memory_space<vmem>>
    %dma_start3A_77 = arith.constant 128 : i32
    %dma_start3A_78 = tpu.memref_slice %arg5[%dma_start3A_73, %dma_start3A_77] : memref<128x200xi32, #tpu.memory_space<vmem>> -> memref<1x72xi32, #tpu.memory_space<vmem>>
    %dma_start3A_79 = tpu.memref_squeeze %dma_start3A_78 : memref<1x72xi32, #tpu.memory_space<vmem>> -> memref<72xi32, #tpu.memory_space<vmem>>
    %dma_start3A_80 = arith.constant 0 : i32
    %dma_start3A_81 = arith.constant 0 : i32
    %dma_start3A_82 = tpu.memref_slice %arg3[%dma_start3A_80, %dma_start3A_81] : memref<100000x64xf32, #tpu.memory_space<hbm>> -> memref<100000x64xf32, #tpu.memory_space<hbm>>
    tpu.enqueue_indirect_dma source(%dma_start3A_82 : memref<100000x64xf32, #tpu.memory_space<hbm>>) target(%dma_start3A_76 : memref<72x64xf32, #tpu.memory_space<vmem>>) offsets(%dma_start3A_79 : memref<72xi32, #tpu.memory_space<vmem>>) semaphore(%arg14 : memref<!tpu.dma_semaphore, #tpu.memory_space<semaphore_mem>>)
    %scan3A = arith.constant 0 : i32
    %scan3A_83 = arith.constant 0 : i32
    %scan3A_84 = arith.constant 32 : i32
    %scan3A_85 = arith.addi %scan3A_83, %scan3A_84 : i32
    %scan3A_86 = arith.constant 1 : i32
    scf.for %scan3A_111 = %scan3A_83 to %scan3A_85 step %scan3A_86  : i32 {
      %mul3A_112 = arith.constant 4 : i32
      %mul3A_113 = arith.muli %mul3A_112, %scan3A_111 : i32
      %add3A_114 = arith.constant 0 : i32
      %add3A_115 = arith.addi %mul3A_113, %add3A_114 : i32
      %dma_wait3A_116 = arith.constant 0 : i32
      %dma_wait3A_117 = arith.constant 0 : i32
      %dma_wait3A_118 = tpu.memref_slice %arg3[%dma_wait3A_116, %dma_wait3A_117] : memref<100000x64xf32, #tpu.memory_space<hbm>> -> memref<200x64xf32, #tpu.memory_space<hbm>>
      %dma_wait3A_119 = arith.constant 0 : i32
      %dma_wait3A_120 = arith.constant 0 : i32
      %dma_wait3A_121 = tpu.memref_slice %arg3[%dma_wait3A_119, %dma_wait3A_120] : memref<100000x64xf32, #tpu.memory_space<hbm>> -> memref<200x64xf32, #tpu.memory_space<hbm>>
      tpu.wait_dma2 semaphore(%arg11 : memref<!tpu.dma_semaphore, #tpu.memory_space<semaphore_mem>>) src(%dma_wait3A_121 : memref<200x64xf32, #tpu.memory_space<hbm>>) dst(%arg6 : memref<200x64xf32, #tpu.memory_space<vmem>>)
      %scan3A_122 = arith.constant 0 : i32
      %scan3A_123 = arith.constant 50 : i32
      %scan3A_124 = arith.addi %scan3A_122, %scan3A_123 : i32
      %scan3A_125 = arith.constant 1 : i32
      %scan3A_126:4 = scf.for %scan3A_342 = %scan3A_122 to %scan3A_124 step %scan3A_125 iter_args(%scan3A_343 = %broadcast_in_dim3A_3, %scan3A_344 = %broadcast_in_dim3A_3, %scan3A_345 = %broadcast_in_dim3A_3, %scan3A_346 = %broadcast_in_dim3A_3) -> (vector<16xf32>, vector<16xf32>, vector<16xf32>, vector<16xf32>)  : i32 {
        %mul3A_347 = arith.constant 4 : i32
        %mul3A_348 = arith.muli %mul3A_347, %scan3A_342 : i32
        %add3A_349 = arith.constant 0 : i32
        %add3A_350 = arith.addi %mul3A_348, %add3A_349 : i32
        %get3A = arith.index_cast %add3A_350 : i32 to index
        %get3A_351 = arith.constant 0 : index
        %get3A_352 = tpu.vector_load %arg6[%get3A, %get3A_351] {strides = array<i32>} : memref<200x64xf32, #tpu.memory_space<vmem>>, vector<1x16xf32>,
        %get3A_353 = vector.shape_cast %get3A_352 : vector<1x16xf32> to vector<16xf32>
        %mul3A_354 = arith.constant 4 : i32
        %mul3A_355 = arith.muli %mul3A_354, %scan3A_342 : i32
        %add3A_356 = arith.constant 0 : i32
        %add3A_357 = arith.addi %mul3A_355, %add3A_356 : i32
        %get3A_358 = arith.index_cast %add3A_357 : i32 to index
        %get3A_359 = arith.constant 16 : index
        %get3A_360 = tpu.vector_load %arg6[%get3A_358, %get3A_359] {strides = array<i32>} : memref<200x64xf32, #tpu.memory_space<vmem>>, vector<1x16xf32>,
        %get3A_361 = vector.shape_cast %get3A_360 : vector<1x16xf32> to vector<16xf32>
        %mul3A_362 = arith.constant 4 : i32
        %mul3A_363 = arith.muli %mul3A_362, %scan3A_342 : i32
        %add3A_364 = arith.constant 0 : i32
        %add3A_365 = arith.addi %mul3A_363, %add3A_364 : i32
        %get3A_366 = arith.index_cast %add3A_365 : i32 to index
        %get3A_367 = arith.constant 32 : index
        %get3A_368 = tpu.vector_load %arg6[%get3A_366, %get3A_367] {strides = array<i32>} : memref<200x64xf32, #tpu.memory_space<vmem>>, vector<1x16xf32>,
        %get3A_369 = vector.shape_cast %get3A_368 : vector<1x16xf32> to vector<16xf32>
        %mul3A_370 = arith.constant 4 : i32
        %mul3A_371 = arith.muli %mul3A_370, %scan3A_342 : i32
        %add3A_372 = arith.constant 0 : i32
        %add3A_373 = arith.addi %mul3A_371, %add3A_372 : i32
        %get3A_374 = arith.index_cast %add3A_373 : i32 to index
        %get3A_375 = arith.constant 48 : index
        %get3A_376 = tpu.vector_load %arg6[%get3A_374, %get3A_375] {strides = array<i32>} : memref<200x64xf32, #tpu.memory_space<vmem>>, vector<1x16xf32>,
        %get3A_377 = vector.shape_cast %get3A_376 : vector<1x16xf32> to vector<16xf32>
        %mul3A_378 = arith.constant 4 : i32
        %mul3A_379 = arith.muli %mul3A_378, %scan3A_342 : i32
        %add3A_380 = arith.constant 1 : i32
        %add3A_381 = arith.addi %mul3A_379, %add3A_380 : i32
        %get3A_382 = arith.index_cast %add3A_381 : i32 to index
        %get3A_383 = arith.constant 0 : index
        %get3A_384 = tpu.vector_load %arg6[%get3A_382, %get3A_383] {strides = array<i32>} : memref<200x64xf32, #tpu.memory_space<vmem>>, vector<1x16xf32>,
        %get3A_385 = vector.shape_cast %get3A_384 : vector<1x16xf32> to vector<16xf32>
        %mul3A_386 = arith.constant 4 : i32
        %mul3A_387 = arith.muli %mul3A_386, %scan3A_342 : i32
        %add3A_388 = arith.constant 1 : i32
        %add3A_389 = arith.addi %mul3A_387, %add3A_388 : i32
        %get3A_390 = arith.index_cast %add3A_389 : i32 to index
        %get3A_391 = arith.constant 16 : index
        %get3A_392 = tpu.vector_load %arg6[%get3A_390, %get3A_391] {strides = array<i32>} : memref<200x64xf32, #tpu.memory_space<vmem>>, vector<1x16xf32>,
        %get3A_393 = vector.shape_cast %get3A_392 : vector<1x16xf32> to vector<16xf32>
        %mul3A_394 = arith.constant 4 : i32
        %mul3A_395 = arith.muli %mul3A_394, %scan3A_342 : i32
        %add3A_396 = arith.constant 1 : i32
        %add3A_397 = arith.addi %mul3A_395, %add3A_396 : i32
        %get3A_398 = arith.index_cast %add3A_397 : i32 to index
        %get3A_399 = arith.constant 32 : index
        %get3A_400 = tpu.vector_load %arg6[%get3A_398, %get3A_399] {strides = array<i32>} : memref<200x64xf32, #tpu.memory_space<vmem>>, vector<1x16xf32>,
        %get3A_401 = vector.shape_cast %get3A_400 : vector<1x16xf32> to vector<16xf32>
        %mul3A_402 = arith.constant 4 : i32
        %mul3A_403 = arith.muli %mul3A_402, %scan3A_342 : i32
        %add3A_404 = arith.constant 1 : i32
        %add3A_405 = arith.addi %mul3A_403, %add3A_404 : i32
        %get3A_406 = arith.index_cast %add3A_405 : i32 to index
        %get3A_407 = arith.constant 48 : index
        %get3A_408 = tpu.vector_load %arg6[%get3A_406, %get3A_407] {strides = array<i32>} : memref<200x64xf32, #tpu.memory_space<vmem>>, vector<1x16xf32>,
        %get3A_409 = vector.shape_cast %get3A_408 : vector<1x16xf32> to vector<16xf32>
        %mul3A_410 = arith.constant 4 : i32
        %mul3A_411 = arith.muli %mul3A_410, %scan3A_342 : i32
        %add3A_412 = arith.constant 2 : i32
        %add3A_413 = arith.addi %mul3A_411, %add3A_412 : i32
        %get3A_414 = arith.index_cast %add3A_413 : i32 to index
        %get3A_415 = arith.constant 0 : index
        %get3A_416 = tpu.vector_load %arg6[%get3A_414, %get3A_415] {strides = array<i32>} : memref<200x64xf32, #tpu.memory_space<vmem>>, vector<1x16xf32>,
        %get3A_417 = vector.shape_cast %get3A_416 : vector<1x16xf32> to vector<16xf32>
        %mul3A_418 = arith.constant 4 : i32
        %mul3A_419 = arith.muli %mul3A_418, %scan3A_342 : i32
        %add3A_420 = arith.constant 2 : i32
        %add3A_421 = arith.addi %mul3A_419, %add3A_420 : i32
        %get3A_422 = arith.index_cast %add3A_421 : i32 to index
        %get3A_423 = arith.constant 16 : index
        %get3A_424 = tpu.vector_load %arg6[%get3A_422, %get3A_423] {strides = array<i32>} : memref<200x64xf32, #tpu.memory_space<vmem>>, vector<1x16xf32>,
        %get3A_425 = vector.shape_cast %get3A_424 : vector<1x16xf32> to vector<16xf32>
        %mul3A_426 = arith.constant 4 : i32
        %mul3A_427 = arith.muli %mul3A_426, %scan3A_342 : i32
        %add3A_428 = arith.constant 2 : i32
        %add3A_429 = arith.addi %mul3A_427, %add3A_428 : i32
        %get3A_430 = arith.index_cast %add3A_429 : i32 to index
        %get3A_431 = arith.constant 32 : index
        %get3A_432 = tpu.vector_load %arg6[%get3A_430, %get3A_431] {strides = array<i32>} : memref<200x64xf32, #tpu.memory_space<vmem>>, vector<1x16xf32>,
        %get3A_433 = vector.shape_cast %get3A_432 : vector<1x16xf32> to vector<16xf32>
        %mul3A_434 = arith.constant 4 : i32
        %mul3A_435 = arith.muli %mul3A_434, %scan3A_342 : i32
        %add3A_436 = arith.constant 2 : i32
        %add3A_437 = arith.addi %mul3A_435, %add3A_436 : i32
        %get3A_438 = arith.index_cast %add3A_437 : i32 to index
        %get3A_439 = arith.constant 48 : index
        %get3A_440 = tpu.vector_load %arg6[%get3A_438, %get3A_439] {strides = array<i32>} : memref<200x64xf32, #tpu.memory_space<vmem>>, vector<1x16xf32>,
        %get3A_441 = vector.shape_cast %get3A_440 : vector<1x16xf32> to vector<16xf32>
        %mul3A_442 = arith.constant 4 : i32
        %mul3A_443 = arith.muli %mul3A_442, %scan3A_342 : i32
        %add3A_444 = arith.constant 3 : i32
        %add3A_445 = arith.addi %mul3A_443, %add3A_444 : i32
        %get3A_446 = arith.index_cast %add3A_445 : i32 to index
        %get3A_447 = arith.constant 0 : index
        %get3A_448 = tpu.vector_load %arg6[%get3A_446, %get3A_447] {strides = array<i32>} : memref<200x64xf32, #tpu.memory_space<vmem>>, vector<1x16xf32>,
        %get3A_449 = vector.shape_cast %get3A_448 : vector<1x16xf32> to vector<16xf32>
        %mul3A_450 = arith.constant 4 : i32
        %mul3A_451 = arith.muli %mul3A_450, %scan3A_342 : i32
        %add3A_452 = arith.constant 3 : i32
        %add3A_453 = arith.addi %mul3A_451, %add3A_452 : i32
        %get3A_454 = arith.index_cast %add3A_453 : i32 to index
        %get3A_455 = arith.constant 16 : index
        %get3A_456 = tpu.vector_load %arg6[%get3A_454, %get3A_455] {strides = array<i32>} : memref<200x64xf32, #tpu.memory_space<vmem>>, vector<1x16xf32>,
        %get3A_457 = vector.shape_cast %get3A_456 : vector<1x16xf32> to vector<16xf32>
        %mul3A_458 = arith.constant 4 : i32
        %mul3A_459 = arith.muli %mul3A_458, %scan3A_342 : i32
        %add3A_460 = arith.constant 3 : i32
        %add3A_461 = arith.addi %mul3A_459, %add3A_460 : i32
        %get3A_462 = arith.index_cast %add3A_461 : i32 to index
        %get3A_463 = arith.constant 32 : index
        %get3A_464 = tpu.vector_load %arg6[%get3A_462, %get3A_463] {strides = array<i32>} : memref<200x64xf32, #tpu.memory_space<vmem>>, vector<1x16xf32>,
        %get3A_465 = vector.shape_cast %get3A_464 : vector<1x16xf32> to vector<16xf32>
        %mul3A_466 = arith.constant 4 : i32
        %mul3A_467 = arith.muli %mul3A_466, %scan3A_342 : i32
        %add3A_468 = arith.constant 3 : i32
        %add3A_469 = arith.addi %mul3A_467, %add3A_468 : i32
        %get3A_470 = arith.index_cast %add3A_469 : i32 to index
        %get3A_471 = arith.constant 48 : index
        %get3A_472 = tpu.vector_load %arg6[%get3A_470, %get3A_471] {strides = array<i32>} : memref<200x64xf32, #tpu.memory_space<vmem>>, vector<1x16xf32>,
        %get3A_473 = vector.shape_cast %get3A_472 : vector<1x16xf32> to vector<16xf32>
        %add3A_474 = arith.addf %get3A_353, %get3A_385 : vector<16xf32>
        %add3A_475 = arith.addf %get3A_417, %get3A_449 : vector<16xf32>
        %add3A_476 = arith.addf %add3A_474, %add3A_475 : vector<16xf32>
        %add3A_477 = arith.addf %scan3A_343, %add3A_476 : vector<16xf32>
        %add3A_478 = arith.addf %get3A_361, %get3A_393 : vector<16xf32>
        %add3A_479 = arith.addf %get3A_425, %get3A_457 : vector<16xf32>
        %add3A_480 = arith.addf %add3A_478, %add3A_479 : vector<16xf32>
        %add3A_481 = arith.addf %scan3A_344, %add3A_480 : vector<16xf32>
        %add3A_482 = arith.addf %get3A_369, %get3A_401 : vector<16xf32>
        %add3A_483 = arith.addf %get3A_433, %get3A_465 : vector<16xf32>
        %add3A_484 = arith.addf %add3A_482, %add3A_483 : vector<16xf32>
        %add3A_485 = arith.addf %scan3A_345, %add3A_484 : vector<16xf32>
        %add3A_486 = arith.addf %get3A_377, %get3A_409 : vector<16xf32>
        %add3A_487 = arith.addf %get3A_441, %get3A_473 : vector<16xf32>
        %add3A_488 = arith.addf %add3A_486, %add3A_487 : vector<16xf32>
        %add3A_489 = arith.addf %scan3A_346, %add3A_488 : vector<16xf32>
        scf.yield %add3A_477, %add3A_481, %add3A_485, %add3A_489 : vector<16xf32>, vector<16xf32>, vector<16xf32>, vector<16xf32>
      }
      %scan3A_127 = arith.constant 50 : i32
      %swap3A = arith.index_cast %add3A_115 : i32 to index
      %swap3A_128 = arith.constant 0 : index
      %swap3A_129 = tpu.vector_load %arg10[%swap3A, %swap3A_128] {strides = array<i32>} : memref<128x64xf32, #tpu.memory_space<vmem>>, vector<1x16xf32>,
      %swap3A_130 = vector.shape_cast %swap3A_129 : vector<1x16xf32> to vector<16xf32>
      %swap3A_131 = vector.shape_cast %scan3A_126#0 : vector<16xf32> to vector<1x16xf32>
      tpu.vector_store %arg10[%swap3A, %swap3A_128], %swap3A_131 {strides = array<i32>} : memref<128x64xf32, #tpu.memory_space<vmem>>, vector<1x16xf32>,
      %swap3A_132 = arith.index_cast %add3A_115 : i32 to index
      %swap3A_133 = arith.constant 16 : index
      %swap3A_134 = tpu.vector_load %arg10[%swap3A_132, %swap3A_133] {strides = array<i32>} : memref<128x64xf32, #tpu.memory_space<vmem>>, vector<1x16xf32>,
      %swap3A_135 = vector.shape_cast %swap3A_134 : vector<1x16xf32> to vector<16xf32>
      %swap3A_136 = vector.shape_cast %scan3A_126#1 : vector<16xf32> to vector<1x16xf32>
      tpu.vector_store %arg10[%swap3A_132, %swap3A_133], %swap3A_136 {strides = array<i32>} : memref<128x64xf32, #tpu.memory_space<vmem>>, vector<1x16xf32>,
      %swap3A_137 = arith.index_cast %add3A_115 : i32 to index
      %swap3A_138 = arith.constant 32 : index
      %swap3A_139 = tpu.vector_load %arg10[%swap3A_137, %swap3A_138] {strides = array<i32>} : memref<128x64xf32, #tpu.memory_space<vmem>>, vector<1x16xf32>,
      %swap3A_140 = vector.shape_cast %swap3A_139 : vector<1x16xf32> to vector<16xf32>
      %swap3A_141 = vector.shape_cast %scan3A_126#2 : vector<16xf32> to vector<1x16xf32>
      tpu.vector_store %arg10[%swap3A_137, %swap3A_138], %swap3A_141 {strides = array<i32>} : memref<128x64xf32, #tpu.memory_space<vmem>>, vector<1x16xf32>,
      %swap3A_142 = arith.index_cast %add3A_115 : i32 to index
      %swap3A_143 = arith.constant 48 : index
      %swap3A_144 = tpu.vector_load %arg10[%swap3A_142, %swap3A_143] {strides = array<i32>} : memref<128x64xf32, #tpu.memory_space<vmem>>, vector<1x16xf32>,
      %swap3A_145 = vector.shape_cast %swap3A_144 : vector<1x16xf32> to vector<16xf32>
      %swap3A_146 = vector.shape_cast %scan3A_126#3 : vector<16xf32> to vector<1x16xf32>
      tpu.vector_store %arg10[%swap3A_142, %swap3A_143], %swap3A_146 {strides = array<i32>} : memref<128x64xf32, #tpu.memory_space<vmem>>, vector<1x16xf32>,
      %add3A_147 = arith.constant 4 : i32
      %add3A_148 = arith.addi %add3A_115, %add3A_147 : i32
      %min3A = arith.constant 127 : i32
      %min3A_149 = arith.minsi %add3A_148, %min3A : i32
      %dma_start3A_150 = arith.constant 0 : i32
      %dma_start3A_151 = arith.constant 0 : i32
      %dma_start3A_152 = tpu.memref_slice %arg6[%dma_start3A_150, %dma_start3A_151] : memref<200x64xf32, #tpu.memory_space<vmem>> -> memref<128x64xf32, #tpu.memory_space<vmem>>
      %dma_start3A_153 = arith.constant 0 : i32
      %dma_start3A_154 = tpu.memref_slice %arg5[%min3A_149, %dma_start3A_153] : memref<128x200xi32, #tpu.memory_space<vmem>> -> memref<1x128xi32, #tpu.memory_space<vmem>>
      %dma_start3A_155 = tpu.memref_squeeze %dma_start3A_154 : memref<1x128xi32, #tpu.memory_space<vmem>> -> memref<128xi32, #tpu.memory_space<vmem>>
      %dma_start3A_156 = arith.constant 0 : i32
      %dma_start3A_157 = arith.constant 0 : i32
      %dma_start3A_158 = tpu.memref_slice %arg3[%dma_start3A_156, %dma_start3A_157] : memref<100000x64xf32, #tpu.memory_space<hbm>> -> memref<100000x64xf32, #tpu.memory_space<hbm>>
      tpu.enqueue_indirect_dma source(%dma_start3A_158 : memref<100000x64xf32, #tpu.memory_space<hbm>>) target(%dma_start3A_152 : memref<128x64xf32, #tpu.memory_space<vmem>>) offsets(%dma_start3A_155 : memref<128xi32, #tpu.memory_space<vmem>>) semaphore(%arg11 : memref<!tpu.dma_semaphore, #tpu.memory_space<semaphore_mem>>)
      %dma_start3A_159 = arith.constant 128 : i32
      %dma_start3A_160 = arith.constant 0 : i32
      %dma_start3A_161 = tpu.memref_slice %arg6[%dma_start3A_159, %dma_start3A_160] : memref<200x64xf32, #tpu.memory_space<vmem>> -> memref<72x64xf32, #tpu.memory_space<vmem>>
      %dma_start3A_162 = arith.constant 128 : i32
      %dma_start3A_163 = tpu.memref_slice %arg5[%min3A_149, %dma_start3A_162] : memref<128x200xi32, #tpu.memory_space<vmem>> -> memref<1x72xi32, #tpu.memory_space<vmem>>
      %dma_start3A_164 = tpu.memref_squeeze %dma_start3A_163 : memref<1x72xi32, #tpu.memory_space<vmem>> -> memref<72xi32, #tpu.memory_space<vmem>>
      %dma_start3A_165 = arith.constant 0 : i32
      %dma_start3A_166 = arith.constant 0 : i32
      %dma_start3A_167 = tpu.memref_slice %arg3[%dma_start3A_165, %dma_start3A_166] : memref<100000x64xf32, #tpu.memory_space<hbm>> -> memref<100000x64xf32, #tpu.memory_space<hbm>>
      tpu.enqueue_indirect_dma source(%dma_start3A_167 : memref<100000x64xf32, #tpu.memory_space<hbm>>) target(%dma_start3A_161 : memref<72x64xf32, #tpu.memory_space<vmem>>) offsets(%dma_start3A_164 : memref<72xi32, #tpu.memory_space<vmem>>) semaphore(%arg11 : memref<!tpu.dma_semaphore, #tpu.memory_space<semaphore_mem>>)
      %mul3A_168 = arith.constant 4 : i32
      %mul3A_169 = arith.muli %mul3A_168, %scan3A_111 : i32
      %add3A_170 = arith.constant 1 : i32
      %add3A_171 = arith.addi %mul3A_169, %add3A_170 : i32
      %dma_wait3A_172 = arith.constant 0 : i32
      %dma_wait3A_173 = arith.constant 0 : i32
      %dma_wait3A_174 = tpu.memref_slice %arg3[%dma_wait3A_172, %dma_wait3A_173] : memref<100000x64xf32, #tpu.memory_space<hbm>> -> memref<200x64xf32, #tpu.memory_space<hbm>>
      %dma_wait3A_175 = arith.constant 0 : i32
      %dma_wait3A_176 = arith.constant 0 : i32
      %dma_wait3A_177 = tpu.memref_slice %arg3[%dma_wait3A_175, %dma_wait3A_176] : memref<100000x64xf32, #tpu.memory_space<hbm>> -> memref<200x64xf32, #tpu.memory_space<hbm>>
      tpu.wait_dma2 semaphore(%arg12 : memref<!tpu.dma_semaphore, #tpu.memory_space<semaphore_mem>>) src(%dma_wait3A_177 : memref<200x64xf32, #tpu.memory_space<hbm>>) dst(%arg7 : memref<200x64xf32, #tpu.memory_space<vmem>>)
      %scan3A_178 = arith.constant 0 : i32
      %scan3A_179 = arith.constant 50 : i32
      %scan3A_180 = arith.addi %scan3A_178, %scan3A_179 : i32
      %scan3A_181 = arith.constant 1 : i32
      %scan3A_182:4 = scf.for %scan3A_342 = %scan3A_178 to %scan3A_180 step %scan3A_181 iter_args(%scan3A_343 = %broadcast_in_dim3A_3, %scan3A_344 = %broadcast_in_dim3A_3, %scan3A_345 = %broadcast_in_dim3A_3, %scan3A_346 = %broadcast_in_dim3A_3) -> (vector<16xf32>, vector<16xf32>, vector<16xf32>, vector<16xf32>)  : i32 {
        %mul3A_347 = arith.constant 4 : i32
        %mul3A_348 = arith.muli %mul3A_347, %scan3A_342 : i32
        %add3A_349 = arith.constant 0 : i32
        %add3A_350 = arith.addi %mul3A_348, %add3A_349 : i32
        %get3A = arith.index_cast %add3A_350 : i32 to index
        %get3A_351 = arith.constant 0 : index
        %get3A_352 = tpu.vector_load %arg7[%get3A, %get3A_351] {strides = array<i32>} : memref<200x64xf32, #tpu.memory_space<vmem>>, vector<1x16xf32>,
        %get3A_353 = vector.shape_cast %get3A_352 : vector<1x16xf32> to vector<16xf32>
        %mul3A_354 = arith.constant 4 : i32
        %mul3A_355 = arith.muli %mul3A_354, %scan3A_342 : i32
        %add3A_356 = arith.constant 0 : i32
        %add3A_357 = arith.addi %mul3A_355, %add3A_356 : i32
        %get3A_358 = arith.index_cast %add3A_357 : i32 to index
        %get3A_359 = arith.constant 16 : index
        %get3A_360 = tpu.vector_load %arg7[%get3A_358, %get3A_359] {strides = array<i32>} : memref<200x64xf32, #tpu.memory_space<vmem>>, vector<1x16xf32>,
        %get3A_361 = vector.shape_cast %get3A_360 : vector<1x16xf32> to vector<16xf32>
        %mul3A_362 = arith.constant 4 : i32
        %mul3A_363 = arith.muli %mul3A_362, %scan3A_342 : i32
        %add3A_364 = arith.constant 0 : i32
        %add3A_365 = arith.addi %mul3A_363, %add3A_364 : i32
        %get3A_366 = arith.index_cast %add3A_365 : i32 to index
        %get3A_367 = arith.constant 32 : index
        %get3A_368 = tpu.vector_load %arg7[%get3A_366, %get3A_367] {strides = array<i32>} : memref<200x64xf32, #tpu.memory_space<vmem>>, vector<1x16xf32>,
        %get3A_369 = vector.shape_cast %get3A_368 : vector<1x16xf32> to vector<16xf32>
        %mul3A_370 = arith.constant 4 : i32
        %mul3A_371 = arith.muli %mul3A_370, %scan3A_342 : i32
        %add3A_372 = arith.constant 0 : i32
        %add3A_373 = arith.addi %mul3A_371, %add3A_372 : i32
        %get3A_374 = arith.index_cast %add3A_373 : i32 to index
        %get3A_375 = arith.constant 48 : index
        %get3A_376 = tpu.vector_load %arg7[%get3A_374, %get3A_375] {strides = array<i32>} : memref<200x64xf32, #tpu.memory_space<vmem>>, vector<1x16xf32>,
        %get3A_377 = vector.shape_cast %get3A_376 : vector<1x16xf32> to vector<16xf32>
        %mul3A_378 = arith.constant 4 : i32
        %mul3A_379 = arith.muli %mul3A_378, %scan3A_342 : i32
        %add3A_380 = arith.constant 1 : i32
        %add3A_381 = arith.addi %mul3A_379, %add3A_380 : i32
        %get3A_382 = arith.index_cast %add3A_381 : i32 to index
        %get3A_383 = arith.constant 0 : index
        %get3A_384 = tpu.vector_load %arg7[%get3A_382, %get3A_383] {strides = array<i32>} : memref<200x64xf32, #tpu.memory_space<vmem>>, vector<1x16xf32>,
        %get3A_385 = vector.shape_cast %get3A_384 : vector<1x16xf32> to vector<16xf32>
        %mul3A_386 = arith.constant 4 : i32
        %mul3A_387 = arith.muli %mul3A_386, %scan3A_342 : i32
        %add3A_388 = arith.constant 1 : i32
        %add3A_389 = arith.addi %mul3A_387, %add3A_388 : i32
        %get3A_390 = arith.index_cast %add3A_389 : i32 to index
        %get3A_391 = arith.constant 16 : index
        %get3A_392 = tpu.vector_load %arg7[%get3A_390, %get3A_391] {strides = array<i32>} : memref<200x64xf32, #tpu.memory_space<vmem>>, vector<1x16xf32>,
        %get3A_393 = vector.shape_cast %get3A_392 : vector<1x16xf32> to vector<16xf32>
        %mul3A_394 = arith.constant 4 : i32
        %mul3A_395 = arith.muli %mul3A_394, %scan3A_342 : i32
        %add3A_396 = arith.constant 1 : i32
        %add3A_397 = arith.addi %mul3A_395, %add3A_396 : i32
        %get3A_398 = arith.index_cast %add3A_397 : i32 to index
        %get3A_399 = arith.constant 32 : index
        %get3A_400 = tpu.vector_load %arg7[%get3A_398, %get3A_399] {strides = array<i32>} : memref<200x64xf32, #tpu.memory_space<vmem>>, vector<1x16xf32>,
        %get3A_401 = vector.shape_cast %get3A_400 : vector<1x16xf32> to vector<16xf32>
        %mul3A_402 = arith.constant 4 : i32
        %mul3A_403 = arith.muli %mul3A_402, %scan3A_342 : i32
        %add3A_404 = arith.constant 1 : i32
        %add3A_405 = arith.addi %mul3A_403, %add3A_404 : i32
        %get3A_406 = arith.index_cast %add3A_405 : i32 to index
        %get3A_407 = arith.constant 48 : index
        %get3A_408 = tpu.vector_load %arg7[%get3A_406, %get3A_407] {strides = array<i32>} : memref<200x64xf32, #tpu.memory_space<vmem>>, vector<1x16xf32>,
        %get3A_409 = vector.shape_cast %get3A_408 : vector<1x16xf32> to vector<16xf32>
        %mul3A_410 = arith.constant 4 : i32
        %mul3A_411 = arith.muli %mul3A_410, %scan3A_342 : i32
        %add3A_412 = arith.constant 2 : i32
        %add3A_413 = arith.addi %mul3A_411, %add3A_412 : i32
        %get3A_414 = arith.index_cast %add3A_413 : i32 to index
        %get3A_415 = arith.constant 0 : index
        %get3A_416 = tpu.vector_load %arg7[%get3A_414, %get3A_415] {strides = array<i32>} : memref<200x64xf32, #tpu.memory_space<vmem>>, vector<1x16xf32>,
        %get3A_417 = vector.shape_cast %get3A_416 : vector<1x16xf32> to vector<16xf32>
        %mul3A_418 = arith.constant 4 : i32
        %mul3A_419 = arith.muli %mul3A_418, %scan3A_342 : i32
        %add3A_420 = arith.constant 2 : i32
        %add3A_421 = arith.addi %mul3A_419, %add3A_420 : i32
        %get3A_422 = arith.index_cast %add3A_421 : i32 to index
        %get3A_423 = arith.constant 16 : index
        %get3A_424 = tpu.vector_load %arg7[%get3A_422, %get3A_423] {strides = array<i32>} : memref<200x64xf32, #tpu.memory_space<vmem>>, vector<1x16xf32>,
        %get3A_425 = vector.shape_cast %get3A_424 : vector<1x16xf32> to vector<16xf32>
        %mul3A_426 = arith.constant 4 : i32
        %mul3A_427 = arith.muli %mul3A_426, %scan3A_342 : i32
        %add3A_428 = arith.constant 2 : i32
        %add3A_429 = arith.addi %mul3A_427, %add3A_428 : i32
        %get3A_430 = arith.index_cast %add3A_429 : i32 to index
        %get3A_431 = arith.constant 32 : index
        %get3A_432 = tpu.vector_load %arg7[%get3A_430, %get3A_431] {strides = array<i32>} : memref<200x64xf32, #tpu.memory_space<vmem>>, vector<1x16xf32>,
        %get3A_433 = vector.shape_cast %get3A_432 : vector<1x16xf32> to vector<16xf32>
        %mul3A_434 = arith.constant 4 : i32
        %mul3A_435 = arith.muli %mul3A_434, %scan3A_342 : i32
        %add3A_436 = arith.constant 2 : i32
        %add3A_437 = arith.addi %mul3A_435, %add3A_436 : i32
        %get3A_438 = arith.index_cast %add3A_437 : i32 to index
        %get3A_439 = arith.constant 48 : index
        %get3A_440 = tpu.vector_load %arg7[%get3A_438, %get3A_439] {strides = array<i32>} : memref<200x64xf32, #tpu.memory_space<vmem>>, vector<1x16xf32>,
        %get3A_441 = vector.shape_cast %get3A_440 : vector<1x16xf32> to vector<16xf32>
        %mul3A_442 = arith.constant 4 : i32
        %mul3A_443 = arith.muli %mul3A_442, %scan3A_342 : i32
        %add3A_444 = arith.constant 3 : i32
        %add3A_445 = arith.addi %mul3A_443, %add3A_444 : i32
        %get3A_446 = arith.index_cast %add3A_445 : i32 to index
        %get3A_447 = arith.constant 0 : index
        %get3A_448 = tpu.vector_load %arg7[%get3A_446, %get3A_447] {strides = array<i32>} : memref<200x64xf32, #tpu.memory_space<vmem>>, vector<1x16xf32>,
        %get3A_449 = vector.shape_cast %get3A_448 : vector<1x16xf32> to vector<16xf32>
        %mul3A_450 = arith.constant 4 : i32
        %mul3A_451 = arith.muli %mul3A_450, %scan3A_342 : i32
        %add3A_452 = arith.constant 3 : i32
        %add3A_453 = arith.addi %mul3A_451, %add3A_452 : i32
        %get3A_454 = arith.index_cast %add3A_453 : i32 to index
        %get3A_455 = arith.constant 16 : index
        %get3A_456 = tpu.vector_load %arg7[%get3A_454, %get3A_455] {strides = array<i32>} : memref<200x64xf32, #tpu.memory_space<vmem>>, vector<1x16xf32>,
        %get3A_457 = vector.shape_cast %get3A_456 : vector<1x16xf32> to vector<16xf32>
        %mul3A_458 = arith.constant 4 : i32
        %mul3A_459 = arith.muli %mul3A_458, %scan3A_342 : i32
        %add3A_460 = arith.constant 3 : i32
        %add3A_461 = arith.addi %mul3A_459, %add3A_460 : i32
        %get3A_462 = arith.index_cast %add3A_461 : i32 to index
        %get3A_463 = arith.constant 32 : index
        %get3A_464 = tpu.vector_load %arg7[%get3A_462, %get3A_463] {strides = array<i32>} : memref<200x64xf32, #tpu.memory_space<vmem>>, vector<1x16xf32>,
        %get3A_465 = vector.shape_cast %get3A_464 : vector<1x16xf32> to vector<16xf32>
        %mul3A_466 = arith.constant 4 : i32
        %mul3A_467 = arith.muli %mul3A_466, %scan3A_342 : i32
        %add3A_468 = arith.constant 3 : i32
        %add3A_469 = arith.addi %mul3A_467, %add3A_468 : i32
        %get3A_470 = arith.index_cast %add3A_469 : i32 to index
        %get3A_471 = arith.constant 48 : index
        %get3A_472 = tpu.vector_load %arg7[%get3A_470, %get3A_471] {strides = array<i32>} : memref<200x64xf32, #tpu.memory_space<vmem>>, vector<1x16xf32>,
        %get3A_473 = vector.shape_cast %get3A_472 : vector<1x16xf32> to vector<16xf32>
        %add3A_474 = arith.addf %get3A_353, %get3A_385 : vector<16xf32>
        %add3A_475 = arith.addf %get3A_417, %get3A_449 : vector<16xf32>
        %add3A_476 = arith.addf %add3A_474, %add3A_475 : vector<16xf32>
        %add3A_477 = arith.addf %scan3A_343, %add3A_476 : vector<16xf32>
        %add3A_478 = arith.addf %get3A_361, %get3A_393 : vector<16xf32>
        %add3A_479 = arith.addf %get3A_425, %get3A_457 : vector<16xf32>
        %add3A_480 = arith.addf %add3A_478, %add3A_479 : vector<16xf32>
        %add3A_481 = arith.addf %scan3A_344, %add3A_480 : vector<16xf32>
        %add3A_482 = arith.addf %get3A_369, %get3A_401 : vector<16xf32>
        %add3A_483 = arith.addf %get3A_433, %get3A_465 : vector<16xf32>
        %add3A_484 = arith.addf %add3A_482, %add3A_483 : vector<16xf32>
        %add3A_485 = arith.addf %scan3A_345, %add3A_484 : vector<16xf32>
        %add3A_486 = arith.addf %get3A_377, %get3A_409 : vector<16xf32>
        %add3A_487 = arith.addf %get3A_441, %get3A_473 : vector<16xf32>
        %add3A_488 = arith.addf %add3A_486, %add3A_487 : vector<16xf32>
        %add3A_489 = arith.addf %scan3A_346, %add3A_488 : vector<16xf32>
        scf.yield %add3A_477, %add3A_481, %add3A_485, %add3A_489 : vector<16xf32>, vector<16xf32>, vector<16xf32>, vector<16xf32>
      }
      %scan3A_183 = arith.constant 50 : i32
      %swap3A_184 = arith.index_cast %add3A_171 : i32 to index
      %swap3A_185 = arith.constant 0 : index
      %swap3A_186 = tpu.vector_load %arg10[%swap3A_184, %swap3A_185] {strides = array<i32>} : memref<128x64xf32, #tpu.memory_space<vmem>>, vector<1x16xf32>,
      %swap3A_187 = vector.shape_cast %swap3A_186 : vector<1x16xf32> to vector<16xf32>
      %swap3A_188 = vector.shape_cast %scan3A_182#0 : vector<16xf32> to vector<1x16xf32>
      tpu.vector_store %arg10[%swap3A_184, %swap3A_185], %swap3A_188 {strides = array<i32>} : memref<128x64xf32, #tpu.memory_space<vmem>>, vector<1x16xf32>,
      %swap3A_189 = arith.index_cast %add3A_171 : i32 to index
      %swap3A_190 = arith.constant 16 : index
      %swap3A_191 = tpu.vector_load %arg10[%swap3A_189, %swap3A_190] {strides = array<i32>} : memref<128x64xf32, #tpu.memory_space<vmem>>, vector<1x16xf32>,
      %swap3A_192 = vector.shape_cast %swap3A_191 : vector<1x16xf32> to vector<16xf32>
      %swap3A_193 = vector.shape_cast %scan3A_182#1 : vector<16xf32> to vector<1x16xf32>
      tpu.vector_store %arg10[%swap3A_189, %swap3A_190], %swap3A_193 {strides = array<i32>} : memref<128x64xf32, #tpu.memory_space<vmem>>, vector<1x16xf32>,
      %swap3A_194 = arith.index_cast %add3A_171 : i32 to index
      %swap3A_195 = arith.constant 32 : index
      %swap3A_196 = tpu.vector_load %arg10[%swap3A_194, %swap3A_195] {strides = array<i32>} : memref<128x64xf32, #tpu.memory_space<vmem>>, vector<1x16xf32>,
      %swap3A_197 = vector.shape_cast %swap3A_196 : vector<1x16xf32> to vector<16xf32>
      %swap3A_198 = vector.shape_cast %scan3A_182#2 : vector<16xf32> to vector<1x16xf32>
      tpu.vector_store %arg10[%swap3A_194, %swap3A_195], %swap3A_198 {strides = array<i32>} : memref<128x64xf32, #tpu.memory_space<vmem>>, vector<1x16xf32>,
      %swap3A_199 = arith.index_cast %add3A_171 : i32 to index
      %swap3A_200 = arith.constant 48 : index
      %swap3A_201 = tpu.vector_load %arg10[%swap3A_199, %swap3A_200] {strides = array<i32>} : memref<128x64xf32, #tpu.memory_space<vmem>>, vector<1x16xf32>,
      %swap3A_202 = vector.shape_cast %swap3A_201 : vector<1x16xf32> to vector<16xf32>
      %swap3A_203 = vector.shape_cast %scan3A_182#3 : vector<16xf32> to vector<1x16xf32>
      tpu.vector_store %arg10[%swap3A_199, %swap3A_200], %swap3A_203 {strides = array<i32>} : memref<128x64xf32, #tpu.memory_space<vmem>>, vector<1x16xf32>,
      %add3A_204 = arith.constant 4 : i32
      %add3A_205 = arith.addi %add3A_171, %add3A_204 : i32
      %min3A_206 = arith.constant 127 : i32
      %min3A_207 = arith.minsi %add3A_205, %min3A_206 : i32
      %dma_start3A_208 = arith.constant 0 : i32
      %dma_start3A_209 = arith.constant 0 : i32
      %dma_start3A_210 = tpu.memref_slice %arg7[%dma_start3A_208, %dma_start3A_209] : memref<200x64xf32, #tpu.memory_space<vmem>> -> memref<128x64xf32, #tpu.memory_space<vmem>>
      %dma_start3A_211 = arith.constant 0 : i32
      %dma_start3A_212 = tpu.memref_slice %arg5[%min3A_207, %dma_start3A_211] : memref<128x200xi32, #tpu.memory_space<vmem>> -> memref<1x128xi32, #tpu.memory_space<vmem>>
      %dma_start3A_213 = tpu.memref_squeeze %dma_start3A_212 : memref<1x128xi32, #tpu.memory_space<vmem>> -> memref<128xi32, #tpu.memory_space<vmem>>
      %dma_start3A_214 = arith.constant 0 : i32
      %dma_start3A_215 = arith.constant 0 : i32
      %dma_start3A_216 = tpu.memref_slice %arg3[%dma_start3A_214, %dma_start3A_215] : memref<100000x64xf32, #tpu.memory_space<hbm>> -> memref<100000x64xf32, #tpu.memory_space<hbm>>
      tpu.enqueue_indirect_dma source(%dma_start3A_216 : memref<100000x64xf32, #tpu.memory_space<hbm>>) target(%dma_start3A_210 : memref<128x64xf32, #tpu.memory_space<vmem>>) offsets(%dma_start3A_213 : memref<128xi32, #tpu.memory_space<vmem>>) semaphore(%arg12 : memref<!tpu.dma_semaphore, #tpu.memory_space<semaphore_mem>>)
      %dma_start3A_217 = arith.constant 128 : i32
      %dma_start3A_218 = arith.constant 0 : i32
      %dma_start3A_219 = tpu.memref_slice %arg7[%dma_start3A_217, %dma_start3A_218] : memref<200x64xf32, #tpu.memory_space<vmem>> -> memref<72x64xf32, #tpu.memory_space<vmem>>
      %dma_start3A_220 = arith.constant 128 : i32
      %dma_start3A_221 = tpu.memref_slice %arg5[%min3A_207, %dma_start3A_220] : memref<128x200xi32, #tpu.memory_space<vmem>> -> memref<1x72xi32, #tpu.memory_space<vmem>>
      %dma_start3A_222 = tpu.memref_squeeze %dma_start3A_221 : memref<1x72xi32, #tpu.memory_space<vmem>> -> memref<72xi32, #tpu.memory_space<vmem>>
      %dma_start3A_223 = arith.constant 0 : i32
      %dma_start3A_224 = arith.constant 0 : i32
      %dma_start3A_225 = tpu.memref_slice %arg3[%dma_start3A_223, %dma_start3A_224] : memref<100000x64xf32, #tpu.memory_space<hbm>> -> memref<100000x64xf32, #tpu.memory_space<hbm>>
      tpu.enqueue_indirect_dma source(%dma_start3A_225 : memref<100000x64xf32, #tpu.memory_space<hbm>>) target(%dma_start3A_219 : memref<72x64xf32, #tpu.memory_space<vmem>>) offsets(%dma_start3A_222 : memref<72xi32, #tpu.memory_space<vmem>>) semaphore(%arg12 : memref<!tpu.dma_semaphore, #tpu.memory_space<semaphore_mem>>)
      %mul3A_226 = arith.constant 4 : i32
      %mul3A_227 = arith.muli %mul3A_226, %scan3A_111 : i32
      %add3A_228 = arith.constant 2 : i32
      %add3A_229 = arith.addi %mul3A_227, %add3A_228 : i32
      %dma_wait3A_230 = arith.constant 0 : i32
      %dma_wait3A_231 = arith.constant 0 : i32
      %dma_wait3A_232 = tpu.memref_slice %arg3[%dma_wait3A_230, %dma_wait3A_231] : memref<100000x64xf32, #tpu.memory_space<hbm>> -> memref<200x64xf32, #tpu.memory_space<hbm>>
      %dma_wait3A_233 = arith.constant 0 : i32
      %dma_wait3A_234 = arith.constant 0 : i32
      %dma_wait3A_235 = tpu.memref_slice %arg3[%dma_wait3A_233, %dma_wait3A_234] : memref<100000x64xf32, #tpu.memory_space<hbm>> -> memref<200x64xf32, #tpu.memory_space<hbm>>
      tpu.wait_dma2 semaphore(%arg13 : memref<!tpu.dma_semaphore, #tpu.memory_space<semaphore_mem>>) src(%dma_wait3A_235 : memref<200x64xf32, #tpu.memory_space<hbm>>) dst(%arg8 : memref<200x64xf32, #tpu.memory_space<vmem>>)
      %scan3A_236 = arith.constant 0 : i32
      %scan3A_237 = arith.constant 50 : i32
      %scan3A_238 = arith.addi %scan3A_236, %scan3A_237 : i32
      %scan3A_239 = arith.constant 1 : i32
      %scan3A_240:4 = scf.for %scan3A_342 = %scan3A_236 to %scan3A_238 step %scan3A_239 iter_args(%scan3A_343 = %broadcast_in_dim3A_3, %scan3A_344 = %broadcast_in_dim3A_3, %scan3A_345 = %broadcast_in_dim3A_3, %scan3A_346 = %broadcast_in_dim3A_3) -> (vector<16xf32>, vector<16xf32>, vector<16xf32>, vector<16xf32>)  : i32 {
        %mul3A_347 = arith.constant 4 : i32
        %mul3A_348 = arith.muli %mul3A_347, %scan3A_342 : i32
        %add3A_349 = arith.constant 0 : i32
        %add3A_350 = arith.addi %mul3A_348, %add3A_349 : i32
        %get3A = arith.index_cast %add3A_350 : i32 to index
        %get3A_351 = arith.constant 0 : index
        %get3A_352 = tpu.vector_load %arg8[%get3A, %get3A_351] {strides = array<i32>} : memref<200x64xf32, #tpu.memory_space<vmem>>, vector<1x16xf32>,
        %get3A_353 = vector.shape_cast %get3A_352 : vector<1x16xf32> to vector<16xf32>
        %mul3A_354 = arith.constant 4 : i32
        %mul3A_355 = arith.muli %mul3A_354, %scan3A_342 : i32
        %add3A_356 = arith.constant 0 : i32
        %add3A_357 = arith.addi %mul3A_355, %add3A_356 : i32
        %get3A_358 = arith.index_cast %add3A_357 : i32 to index
        %get3A_359 = arith.constant 16 : index
        %get3A_360 = tpu.vector_load %arg8[%get3A_358, %get3A_359] {strides = array<i32>} : memref<200x64xf32, #tpu.memory_space<vmem>>, vector<1x16xf32>,
        %get3A_361 = vector.shape_cast %get3A_360 : vector<1x16xf32> to vector<16xf32>
        %mul3A_362 = arith.constant 4 : i32
        %mul3A_363 = arith.muli %mul3A_362, %scan3A_342 : i32
        %add3A_364 = arith.constant 0 : i32
        %add3A_365 = arith.addi %mul3A_363, %add3A_364 : i32
        %get3A_366 = arith.index_cast %add3A_365 : i32 to index
        %get3A_367 = arith.constant 32 : index
        %get3A_368 = tpu.vector_load %arg8[%get3A_366, %get3A_367] {strides = array<i32>} : memref<200x64xf32, #tpu.memory_space<vmem>>, vector<1x16xf32>,
        %get3A_369 = vector.shape_cast %get3A_368 : vector<1x16xf32> to vector<16xf32>
        %mul3A_370 = arith.constant 4 : i32
        %mul3A_371 = arith.muli %mul3A_370, %scan3A_342 : i32
        %add3A_372 = arith.constant 0 : i32
        %add3A_373 = arith.addi %mul3A_371, %add3A_372 : i32
        %get3A_374 = arith.index_cast %add3A_373 : i32 to index
        %get3A_375 = arith.constant 48 : index
        %get3A_376 = tpu.vector_load %arg8[%get3A_374, %get3A_375] {strides = array<i32>} : memref<200x64xf32, #tpu.memory_space<vmem>>, vector<1x16xf32>,
        %get3A_377 = vector.shape_cast %get3A_376 : vector<1x16xf32> to vector<16xf32>
        %mul3A_378 = arith.constant 4 : i32
        %mul3A_379 = arith.muli %mul3A_378, %scan3A_342 : i32
        %add3A_380 = arith.constant 1 : i32
        %add3A_381 = arith.addi %mul3A_379, %add3A_380 : i32
        %get3A_382 = arith.index_cast %add3A_381 : i32 to index
        %get3A_383 = arith.constant 0 : index
        %get3A_384 = tpu.vector_load %arg8[%get3A_382, %get3A_383] {strides = array<i32>} : memref<200x64xf32, #tpu.memory_space<vmem>>, vector<1x16xf32>,
        %get3A_385 = vector.shape_cast %get3A_384 : vector<1x16xf32> to vector<16xf32>
        %mul3A_386 = arith.constant 4 : i32
        %mul3A_387 = arith.muli %mul3A_386, %scan3A_342 : i32
        %add3A_388 = arith.constant 1 : i32
        %add3A_389 = arith.addi %mul3A_387, %add3A_388 : i32
        %get3A_390 = arith.index_cast %add3A_389 : i32 to index
        %get3A_391 = arith.constant 16 : index
        %get3A_392 = tpu.vector_load %arg8[%get3A_390, %get3A_391] {strides = array<i32>} : memref<200x64xf32, #tpu.memory_space<vmem>>, vector<1x16xf32>,
        %get3A_393 = vector.shape_cast %get3A_392 : vector<1x16xf32> to vector<16xf32>
        %mul3A_394 = arith.constant 4 : i32
        %mul3A_395 = arith.muli %mul3A_394, %scan3A_342 : i32
        %add3A_396 = arith.constant 1 : i32
        %add3A_397 = arith.addi %mul3A_395, %add3A_396 : i32
        %get3A_398 = arith.index_cast %add3A_397 : i32 to index
        %get3A_399 = arith.constant 32 : index
        %get3A_400 = tpu.vector_load %arg8[%get3A_398, %get3A_399] {strides = array<i32>} : memref<200x64xf32, #tpu.memory_space<vmem>>, vector<1x16xf32>,
        %get3A_401 = vector.shape_cast %get3A_400 : vector<1x16xf32> to vector<16xf32>
        %mul3A_402 = arith.constant 4 : i32
        %mul3A_403 = arith.muli %mul3A_402, %scan3A_342 : i32
        %add3A_404 = arith.constant 1 : i32
        %add3A_405 = arith.addi %mul3A_403, %add3A_404 : i32
        %get3A_406 = arith.index_cast %add3A_405 : i32 to index
        %get3A_407 = arith.constant 48 : index
        %get3A_408 = tpu.vector_load %arg8[%get3A_406, %get3A_407] {strides = array<i32>} : memref<200x64xf32, #tpu.memory_space<vmem>>, vector<1x16xf32>,
        %get3A_409 = vector.shape_cast %get3A_408 : vector<1x16xf32> to vector<16xf32>
        %mul3A_410 = arith.constant 4 : i32
        %mul3A_411 = arith.muli %mul3A_410, %scan3A_342 : i32
        %add3A_412 = arith.constant 2 : i32
        %add3A_413 = arith.addi %mul3A_411, %add3A_412 : i32
        %get3A_414 = arith.index_cast %add3A_413 : i32 to index
        %get3A_415 = arith.constant 0 : index
        %get3A_416 = tpu.vector_load %arg8[%get3A_414, %get3A_415] {strides = array<i32>} : memref<200x64xf32, #tpu.memory_space<vmem>>, vector<1x16xf32>,
        %get3A_417 = vector.shape_cast %get3A_416 : vector<1x16xf32> to vector<16xf32>
        %mul3A_418 = arith.constant 4 : i32
        %mul3A_419 = arith.muli %mul3A_418, %scan3A_342 : i32
        %add3A_420 = arith.constant 2 : i32
        %add3A_421 = arith.addi %mul3A_419, %add3A_420 : i32
        %get3A_422 = arith.index_cast %add3A_421 : i32 to index
        %get3A_423 = arith.constant 16 : index
        %get3A_424 = tpu.vector_load %arg8[%get3A_422, %get3A_423] {strides = array<i32>} : memref<200x64xf32, #tpu.memory_space<vmem>>, vector<1x16xf32>,
        %get3A_425 = vector.shape_cast %get3A_424 : vector<1x16xf32> to vector<16xf32>
        %mul3A_426 = arith.constant 4 : i32
        %mul3A_427 = arith.muli %mul3A_426, %scan3A_342 : i32
        %add3A_428 = arith.constant 2 : i32
        %add3A_429 = arith.addi %mul3A_427, %add3A_428 : i32
        %get3A_430 = arith.index_cast %add3A_429 : i32 to index
        %get3A_431 = arith.constant 32 : index
        %get3A_432 = tpu.vector_load %arg8[%get3A_430, %get3A_431] {strides = array<i32>} : memref<200x64xf32, #tpu.memory_space<vmem>>, vector<1x16xf32>,
        %get3A_433 = vector.shape_cast %get3A_432 : vector<1x16xf32> to vector<16xf32>
        %mul3A_434 = arith.constant 4 : i32
        %mul3A_435 = arith.muli %mul3A_434, %scan3A_342 : i32
        %add3A_436 = arith.constant 2 : i32
        %add3A_437 = arith.addi %mul3A_435, %add3A_436 : i32
        %get3A_438 = arith.index_cast %add3A_437 : i32 to index
        %get3A_439 = arith.constant 48 : index
        %get3A_440 = tpu.vector_load %arg8[%get3A_438, %get3A_439] {strides = array<i32>} : memref<200x64xf32, #tpu.memory_space<vmem>>, vector<1x16xf32>,
        %get3A_441 = vector.shape_cast %get3A_440 : vector<1x16xf32> to vector<16xf32>
        %mul3A_442 = arith.constant 4 : i32
        %mul3A_443 = arith.muli %mul3A_442, %scan3A_342 : i32
        %add3A_444 = arith.constant 3 : i32
        %add3A_445 = arith.addi %mul3A_443, %add3A_444 : i32
        %get3A_446 = arith.index_cast %add3A_445 : i32 to index
        %get3A_447 = arith.constant 0 : index
        %get3A_448 = tpu.vector_load %arg8[%get3A_446, %get3A_447] {strides = array<i32>} : memref<200x64xf32, #tpu.memory_space<vmem>>, vector<1x16xf32>,
        %get3A_449 = vector.shape_cast %get3A_448 : vector<1x16xf32> to vector<16xf32>
        %mul3A_450 = arith.constant 4 : i32
        %mul3A_451 = arith.muli %mul3A_450, %scan3A_342 : i32
        %add3A_452 = arith.constant 3 : i32
        %add3A_453 = arith.addi %mul3A_451, %add3A_452 : i32
        %get3A_454 = arith.index_cast %add3A_453 : i32 to index
        %get3A_455 = arith.constant 16 : index
        %get3A_456 = tpu.vector_load %arg8[%get3A_454, %get3A_455] {strides = array<i32>} : memref<200x64xf32, #tpu.memory_space<vmem>>, vector<1x16xf32>,
        %get3A_457 = vector.shape_cast %get3A_456 : vector<1x16xf32> to vector<16xf32>
        %mul3A_458 = arith.constant 4 : i32
        %mul3A_459 = arith.muli %mul3A_458, %scan3A_342 : i32
        %add3A_460 = arith.constant 3 : i32
        %add3A_461 = arith.addi %mul3A_459, %add3A_460 : i32
        %get3A_462 = arith.index_cast %add3A_461 : i32 to index
        %get3A_463 = arith.constant 32 : index
        %get3A_464 = tpu.vector_load %arg8[%get3A_462, %get3A_463] {strides = array<i32>} : memref<200x64xf32, #tpu.memory_space<vmem>>, vector<1x16xf32>,
        %get3A_465 = vector.shape_cast %get3A_464 : vector<1x16xf32> to vector<16xf32>
        %mul3A_466 = arith.constant 4 : i32
        %mul3A_467 = arith.muli %mul3A_466, %scan3A_342 : i32
        %add3A_468 = arith.constant 3 : i32
        %add3A_469 = arith.addi %mul3A_467, %add3A_468 : i32
        %get3A_470 = arith.index_cast %add3A_469 : i32 to index
        %get3A_471 = arith.constant 48 : index
        %get3A_472 = tpu.vector_load %arg8[%get3A_470, %get3A_471] {strides = array<i32>} : memref<200x64xf32, #tpu.memory_space<vmem>>, vector<1x16xf32>,
        %get3A_473 = vector.shape_cast %get3A_472 : vector<1x16xf32> to vector<16xf32>
        %add3A_474 = arith.addf %get3A_353, %get3A_385 : vector<16xf32>
        %add3A_475 = arith.addf %get3A_417, %get3A_449 : vector<16xf32>
        %add3A_476 = arith.addf %add3A_474, %add3A_475 : vector<16xf32>
        %add3A_477 = arith.addf %scan3A_343, %add3A_476 : vector<16xf32>
        %add3A_478 = arith.addf %get3A_361, %get3A_393 : vector<16xf32>
        %add3A_479 = arith.addf %get3A_425, %get3A_457 : vector<16xf32>
        %add3A_480 = arith.addf %add3A_478, %add3A_479 : vector<16xf32>
        %add3A_481 = arith.addf %scan3A_344, %add3A_480 : vector<16xf32>
        %add3A_482 = arith.addf %get3A_369, %get3A_401 : vector<16xf32>
        %add3A_483 = arith.addf %get3A_433, %get3A_465 : vector<16xf32>
        %add3A_484 = arith.addf %add3A_482, %add3A_483 : vector<16xf32>
        %add3A_485 = arith.addf %scan3A_345, %add3A_484 : vector<16xf32>
        %add3A_486 = arith.addf %get3A_377, %get3A_409 : vector<16xf32>
        %add3A_487 = arith.addf %get3A_441, %get3A_473 : vector<16xf32>
        %add3A_488 = arith.addf %add3A_486, %add3A_487 : vector<16xf32>
        %add3A_489 = arith.addf %scan3A_346, %add3A_488 : vector<16xf32>
        scf.yield %add3A_477, %add3A_481, %add3A_485, %add3A_489 : vector<16xf32>, vector<16xf32>, vector<16xf32>, vector<16xf32>
      }
      %scan3A_241 = arith.constant 50 : i32
      %swap3A_242 = arith.index_cast %add3A_229 : i32 to index
      %swap3A_243 = arith.constant 0 : index
      %swap3A_244 = tpu.vector_load %arg10[%swap3A_242, %swap3A_243] {strides = array<i32>} : memref<128x64xf32, #tpu.memory_space<vmem>>, vector<1x16xf32>,
      %swap3A_245 = vector.shape_cast %swap3A_244 : vector<1x16xf32> to vector<16xf32>
      %swap3A_246 = vector.shape_cast %scan3A_240#0 : vector<16xf32> to vector<1x16xf32>
      tpu.vector_store %arg10[%swap3A_242, %swap3A_243], %swap3A_246 {strides = array<i32>} : memref<128x64xf32, #tpu.memory_space<vmem>>, vector<1x16xf32>,
      %swap3A_247 = arith.index_cast %add3A_229 : i32 to index
      %swap3A_248 = arith.constant 16 : index
      %swap3A_249 = tpu.vector_load %arg10[%swap3A_247, %swap3A_248] {strides = array<i32>} : memref<128x64xf32, #tpu.memory_space<vmem>>, vector<1x16xf32>,
      %swap3A_250 = vector.shape_cast %swap3A_249 : vector<1x16xf32> to vector<16xf32>
      %swap3A_251 = vector.shape_cast %scan3A_240#1 : vector<16xf32> to vector<1x16xf32>
      tpu.vector_store %arg10[%swap3A_247, %swap3A_248], %swap3A_251 {strides = array<i32>} : memref<128x64xf32, #tpu.memory_space<vmem>>, vector<1x16xf32>,
      %swap3A_252 = arith.index_cast %add3A_229 : i32 to index
      %swap3A_253 = arith.constant 32 : index
      %swap3A_254 = tpu.vector_load %arg10[%swap3A_252, %swap3A_253] {strides = array<i32>} : memref<128x64xf32, #tpu.memory_space<vmem>>, vector<1x16xf32>,
      %swap3A_255 = vector.shape_cast %swap3A_254 : vector<1x16xf32> to vector<16xf32>
      %swap3A_256 = vector.shape_cast %scan3A_240#2 : vector<16xf32> to vector<1x16xf32>
      tpu.vector_store %arg10[%swap3A_252, %swap3A_253], %swap3A_256 {strides = array<i32>} : memref<128x64xf32, #tpu.memory_space<vmem>>, vector<1x16xf32>,
      %swap3A_257 = arith.index_cast %add3A_229 : i32 to index
      %swap3A_258 = arith.constant 48 : index
      %swap3A_259 = tpu.vector_load %arg10[%swap3A_257, %swap3A_258] {strides = array<i32>} : memref<128x64xf32, #tpu.memory_space<vmem>>, vector<1x16xf32>,
      %swap3A_260 = vector.shape_cast %swap3A_259 : vector<1x16xf32> to vector<16xf32>
      %swap3A_261 = vector.shape_cast %scan3A_240#3 : vector<16xf32> to vector<1x16xf32>
      tpu.vector_store %arg10[%swap3A_257, %swap3A_258], %swap3A_261 {strides = array<i32>} : memref<128x64xf32, #tpu.memory_space<vmem>>, vector<1x16xf32>,
      %add3A_262 = arith.constant 4 : i32
      %add3A_263 = arith.addi %add3A_229, %add3A_262 : i32
      %min3A_264 = arith.constant 127 : i32
      %min3A_265 = arith.minsi %add3A_263, %min3A_264 : i32
      %dma_start3A_266 = arith.constant 0 : i32
      %dma_start3A_267 = arith.constant 0 : i32
      %dma_start3A_268 = tpu.memref_slice %arg8[%dma_start3A_266, %dma_start3A_267] : memref<200x64xf32, #tpu.memory_space<vmem>> -> memref<128x64xf32, #tpu.memory_space<vmem>>
      %dma_start3A_269 = arith.constant 0 : i32
      %dma_start3A_270 = tpu.memref_slice %arg5[%min3A_265, %dma_start3A_269] : memref<128x200xi32, #tpu.memory_space<vmem>> -> memref<1x128xi32, #tpu.memory_space<vmem>>
      %dma_start3A_271 = tpu.memref_squeeze %dma_start3A_270 : memref<1x128xi32, #tpu.memory_space<vmem>> -> memref<128xi32, #tpu.memory_space<vmem>>
      %dma_start3A_272 = arith.constant 0 : i32
      %dma_start3A_273 = arith.constant 0 : i32
      %dma_start3A_274 = tpu.memref_slice %arg3[%dma_start3A_272, %dma_start3A_273] : memref<100000x64xf32, #tpu.memory_space<hbm>> -> memref<100000x64xf32, #tpu.memory_space<hbm>>
      tpu.enqueue_indirect_dma source(%dma_start3A_274 : memref<100000x64xf32, #tpu.memory_space<hbm>>) target(%dma_start3A_268 : memref<128x64xf32, #tpu.memory_space<vmem>>) offsets(%dma_start3A_271 : memref<128xi32, #tpu.memory_space<vmem>>) semaphore(%arg13 : memref<!tpu.dma_semaphore, #tpu.memory_space<semaphore_mem>>)
      %dma_start3A_275 = arith.constant 128 : i32
      %dma_start3A_276 = arith.constant 0 : i32
      %dma_start3A_277 = tpu.memref_slice %arg8[%dma_start3A_275, %dma_start3A_276] : memref<200x64xf32, #tpu.memory_space<vmem>> -> memref<72x64xf32, #tpu.memory_space<vmem>>
      %dma_start3A_278 = arith.constant 128 : i32
      %dma_start3A_279 = tpu.memref_slice %arg5[%min3A_265, %dma_start3A_278] : memref<128x200xi32, #tpu.memory_space<vmem>> -> memref<1x72xi32, #tpu.memory_space<vmem>>
      %dma_start3A_280 = tpu.memref_squeeze %dma_start3A_279 : memref<1x72xi32, #tpu.memory_space<vmem>> -> memref<72xi32, #tpu.memory_space<vmem>>
      %dma_start3A_281 = arith.constant 0 : i32
      %dma_start3A_282 = arith.constant 0 : i32
      %dma_start3A_283 = tpu.memref_slice %arg3[%dma_start3A_281, %dma_start3A_282] : memref<100000x64xf32, #tpu.memory_space<hbm>> -> memref<100000x64xf32, #tpu.memory_space<hbm>>
      tpu.enqueue_indirect_dma source(%dma_start3A_283 : memref<100000x64xf32, #tpu.memory_space<hbm>>) target(%dma_start3A_277 : memref<72x64xf32, #tpu.memory_space<vmem>>) offsets(%dma_start3A_280 : memref<72xi32, #tpu.memory_space<vmem>>) semaphore(%arg13 : memref<!tpu.dma_semaphore, #tpu.memory_space<semaphore_mem>>)
      %mul3A_284 = arith.constant 4 : i32
      %mul3A_285 = arith.muli %mul3A_284, %scan3A_111 : i32
      %add3A_286 = arith.constant 3 : i32
      %add3A_287 = arith.addi %mul3A_285, %add3A_286 : i32
      %dma_wait3A_288 = arith.constant 0 : i32
      %dma_wait3A_289 = arith.constant 0 : i32
      %dma_wait3A_290 = tpu.memref_slice %arg3[%dma_wait3A_288, %dma_wait3A_289] : memref<100000x64xf32, #tpu.memory_space<hbm>> -> memref<200x64xf32, #tpu.memory_space<hbm>>
      %dma_wait3A_291 = arith.constant 0 : i32
      %dma_wait3A_292 = arith.constant 0 : i32
      %dma_wait3A_293 = tpu.memref_slice %arg3[%dma_wait3A_291, %dma_wait3A_292] : memref<100000x64xf32, #tpu.memory_space<hbm>> -> memref<200x64xf32, #tpu.memory_space<hbm>>
      tpu.wait_dma2 semaphore(%arg14 : memref<!tpu.dma_semaphore, #tpu.memory_space<semaphore_mem>>) src(%dma_wait3A_293 : memref<200x64xf32, #tpu.memory_space<hbm>>) dst(%arg9 : memref<200x64xf32, #tpu.memory_space<vmem>>)
      %scan3A_294 = arith.constant 0 : i32
      %scan3A_295 = arith.constant 50 : i32
      %scan3A_296 = arith.addi %scan3A_294, %scan3A_295 : i32
      %scan3A_297 = arith.constant 1 : i32
      %scan3A_298:4 = scf.for %scan3A_342 = %scan3A_294 to %scan3A_296 step %scan3A_297 iter_args(%scan3A_343 = %broadcast_in_dim3A_3, %scan3A_344 = %broadcast_in_dim3A_3, %scan3A_345 = %broadcast_in_dim3A_3, %scan3A_346 = %broadcast_in_dim3A_3) -> (vector<16xf32>, vector<16xf32>, vector<16xf32>, vector<16xf32>)  : i32 {
        %mul3A_347 = arith.constant 4 : i32
        %mul3A_348 = arith.muli %mul3A_347, %scan3A_342 : i32
        %add3A_349 = arith.constant 0 : i32
        %add3A_350 = arith.addi %mul3A_348, %add3A_349 : i32
        %get3A = arith.index_cast %add3A_350 : i32 to index
        %get3A_351 = arith.constant 0 : index
        %get3A_352 = tpu.vector_load %arg9[%get3A, %get3A_351] {strides = array<i32>} : memref<200x64xf32, #tpu.memory_space<vmem>>, vector<1x16xf32>,
        %get3A_353 = vector.shape_cast %get3A_352 : vector<1x16xf32> to vector<16xf32>
        %mul3A_354 = arith.constant 4 : i32
        %mul3A_355 = arith.muli %mul3A_354, %scan3A_342 : i32
        %add3A_356 = arith.constant 0 : i32
        %add3A_357 = arith.addi %mul3A_355, %add3A_356 : i32
        %get3A_358 = arith.index_cast %add3A_357 : i32 to index
        %get3A_359 = arith.constant 16 : index
        %get3A_360 = tpu.vector_load %arg9[%get3A_358, %get3A_359] {strides = array<i32>} : memref<200x64xf32, #tpu.memory_space<vmem>>, vector<1x16xf32>,
        %get3A_361 = vector.shape_cast %get3A_360 : vector<1x16xf32> to vector<16xf32>
        %mul3A_362 = arith.constant 4 : i32
        %mul3A_363 = arith.muli %mul3A_362, %scan3A_342 : i32
        %add3A_364 = arith.constant 0 : i32
        %add3A_365 = arith.addi %mul3A_363, %add3A_364 : i32
        %get3A_366 = arith.index_cast %add3A_365 : i32 to index
        %get3A_367 = arith.constant 32 : index
        %get3A_368 = tpu.vector_load %arg9[%get3A_366, %get3A_367] {strides = array<i32>} : memref<200x64xf32, #tpu.memory_space<vmem>>, vector<1x16xf32>,
        %get3A_369 = vector.shape_cast %get3A_368 : vector<1x16xf32> to vector<16xf32>
        %mul3A_370 = arith.constant 4 : i32
        %mul3A_371 = arith.muli %mul3A_370, %scan3A_342 : i32
        %add3A_372 = arith.constant 0 : i32
        %add3A_373 = arith.addi %mul3A_371, %add3A_372 : i32
        %get3A_374 = arith.index_cast %add3A_373 : i32 to index
        %get3A_375 = arith.constant 48 : index
        %get3A_376 = tpu.vector_load %arg9[%get3A_374, %get3A_375] {strides = array<i32>} : memref<200x64xf32, #tpu.memory_space<vmem>>, vector<1x16xf32>,
        %get3A_377 = vector.shape_cast %get3A_376 : vector<1x16xf32> to vector<16xf32>
        %mul3A_378 = arith.constant 4 : i32
        %mul3A_379 = arith.muli %mul3A_378, %scan3A_342 : i32
        %add3A_380 = arith.constant 1 : i32
        %add3A_381 = arith.addi %mul3A_379, %add3A_380 : i32
        %get3A_382 = arith.index_cast %add3A_381 : i32 to index
        %get3A_383 = arith.constant 0 : index
        %get3A_384 = tpu.vector_load %arg9[%get3A_382, %get3A_383] {strides = array<i32>} : memref<200x64xf32, #tpu.memory_space<vmem>>, vector<1x16xf32>,
        %get3A_385 = vector.shape_cast %get3A_384 : vector<1x16xf32> to vector<16xf32>
        %mul3A_386 = arith.constant 4 : i32
        %mul3A_387 = arith.muli %mul3A_386, %scan3A_342 : i32
        %add3A_388 = arith.constant 1 : i32
        %add3A_389 = arith.addi %mul3A_387, %add3A_388 : i32
        %get3A_390 = arith.index_cast %add3A_389 : i32 to index
        %get3A_391 = arith.constant 16 : index
        %get3A_392 = tpu.vector_load %arg9[%get3A_390, %get3A_391] {strides = array<i32>} : memref<200x64xf32, #tpu.memory_space<vmem>>, vector<1x16xf32>,
        %get3A_393 = vector.shape_cast %get3A_392 : vector<1x16xf32> to vector<16xf32>
        %mul3A_394 = arith.constant 4 : i32
        %mul3A_395 = arith.muli %mul3A_394, %scan3A_342 : i32
        %add3A_396 = arith.constant 1 : i32
        %add3A_397 = arith.addi %mul3A_395, %add3A_396 : i32
        %get3A_398 = arith.index_cast %add3A_397 : i32 to index
        %get3A_399 = arith.constant 32 : index
        %get3A_400 = tpu.vector_load %arg9[%get3A_398, %get3A_399] {strides = array<i32>} : memref<200x64xf32, #tpu.memory_space<vmem>>, vector<1x16xf32>,
        %get3A_401 = vector.shape_cast %get3A_400 : vector<1x16xf32> to vector<16xf32>
        %mul3A_402 = arith.constant 4 : i32
        %mul3A_403 = arith.muli %mul3A_402, %scan3A_342 : i32
        %add3A_404 = arith.constant 1 : i32
        %add3A_405 = arith.addi %mul3A_403, %add3A_404 : i32
        %get3A_406 = arith.index_cast %add3A_405 : i32 to index
        %get3A_407 = arith.constant 48 : index
        %get3A_408 = tpu.vector_load %arg9[%get3A_406, %get3A_407] {strides = array<i32>} : memref<200x64xf32, #tpu.memory_space<vmem>>, vector<1x16xf32>,
        %get3A_409 = vector.shape_cast %get3A_408 : vector<1x16xf32> to vector<16xf32>
        %mul3A_410 = arith.constant 4 : i32
        %mul3A_411 = arith.muli %mul3A_410, %scan3A_342 : i32
        %add3A_412 = arith.constant 2 : i32
        %add3A_413 = arith.addi %mul3A_411, %add3A_412 : i32
        %get3A_414 = arith.index_cast %add3A_413 : i32 to index
        %get3A_415 = arith.constant 0 : index
        %get3A_416 = tpu.vector_load %arg9[%get3A_414, %get3A_415] {strides = array<i32>} : memref<200x64xf32, #tpu.memory_space<vmem>>, vector<1x16xf32>,
        %get3A_417 = vector.shape_cast %get3A_416 : vector<1x16xf32> to vector<16xf32>
        %mul3A_418 = arith.constant 4 : i32
        %mul3A_419 = arith.muli %mul3A_418, %scan3A_342 : i32
        %add3A_420 = arith.constant 2 : i32
        %add3A_421 = arith.addi %mul3A_419, %add3A_420 : i32
        %get3A_422 = arith.index_cast %add3A_421 : i32 to index
        %get3A_423 = arith.constant 16 : index
        %get3A_424 = tpu.vector_load %arg9[%get3A_422, %get3A_423] {strides = array<i32>} : memref<200x64xf32, #tpu.memory_space<vmem>>, vector<1x16xf32>,
        %get3A_425 = vector.shape_cast %get3A_424 : vector<1x16xf32> to vector<16xf32>
        %mul3A_426 = arith.constant 4 : i32
        %mul3A_427 = arith.muli %mul3A_426, %scan3A_342 : i32
        %add3A_428 = arith.constant 2 : i32
        %add3A_429 = arith.addi %mul3A_427, %add3A_428 : i32
        %get3A_430 = arith.index_cast %add3A_429 : i32 to index
        %get3A_431 = arith.constant 32 : index
        %get3A_432 = tpu.vector_load %arg9[%get3A_430, %get3A_431] {strides = array<i32>} : memref<200x64xf32, #tpu.memory_space<vmem>>, vector<1x16xf32>,
        %get3A_433 = vector.shape_cast %get3A_432 : vector<1x16xf32> to vector<16xf32>
        %mul3A_434 = arith.constant 4 : i32
        %mul3A_435 = arith.muli %mul3A_434, %scan3A_342 : i32
        %add3A_436 = arith.constant 2 : i32
        %add3A_437 = arith.addi %mul3A_435, %add3A_436 : i32
        %get3A_438 = arith.index_cast %add3A_437 : i32 to index
        %get3A_439 = arith.constant 48 : index
        %get3A_440 = tpu.vector_load %arg9[%get3A_438, %get3A_439] {strides = array<i32>} : memref<200x64xf32, #tpu.memory_space<vmem>>, vector<1x16xf32>,
        %get3A_441 = vector.shape_cast %get3A_440 : vector<1x16xf32> to vector<16xf32>
        %mul3A_442 = arith.constant 4 : i32
        %mul3A_443 = arith.muli %mul3A_442, %scan3A_342 : i32
        %add3A_444 = arith.constant 3 : i32
        %add3A_445 = arith.addi %mul3A_443, %add3A_444 : i32
        %get3A_446 = arith.index_cast %add3A_445 : i32 to index
        %get3A_447 = arith.constant 0 : index
        %get3A_448 = tpu.vector_load %arg9[%get3A_446, %get3A_447] {strides = array<i32>} : memref<200x64xf32, #tpu.memory_space<vmem>>, vector<1x16xf32>,
        %get3A_449 = vector.shape_cast %get3A_448 : vector<1x16xf32> to vector<16xf32>
        %mul3A_450 = arith.constant 4 : i32
        %mul3A_451 = arith.muli %mul3A_450, %scan3A_342 : i32
        %add3A_452 = arith.constant 3 : i32
        %add3A_453 = arith.addi %mul3A_451, %add3A_452 : i32
        %get3A_454 = arith.index_cast %add3A_453 : i32 to index
        %get3A_455 = arith.constant 16 : index
        %get3A_456 = tpu.vector_load %arg9[%get3A_454, %get3A_455] {strides = array<i32>} : memref<200x64xf32, #tpu.memory_space<vmem>>, vector<1x16xf32>,
        %get3A_457 = vector.shape_cast %get3A_456 : vector<1x16xf32> to vector<16xf32>
        %mul3A_458 = arith.constant 4 : i32
        %mul3A_459 = arith.muli %mul3A_458, %scan3A_342 : i32
        %add3A_460 = arith.constant 3 : i32
        %add3A_461 = arith.addi %mul3A_459, %add3A_460 : i32
        %get3A_462 = arith.index_cast %add3A_461 : i32 to index
        %get3A_463 = arith.constant 32 : index
        %get3A_464 = tpu.vector_load %arg9[%get3A_462, %get3A_463] {strides = array<i32>} : memref<200x64xf32, #tpu.memory_space<vmem>>, vector<1x16xf32>,
        %get3A_465 = vector.shape_cast %get3A_464 : vector<1x16xf32> to vector<16xf32>
        %mul3A_466 = arith.constant 4 : i32
        %mul3A_467 = arith.muli %mul3A_466, %scan3A_342 : i32
        %add3A_468 = arith.constant 3 : i32
        %add3A_469 = arith.addi %mul3A_467, %add3A_468 : i32
        %get3A_470 = arith.index_cast %add3A_469 : i32 to index
        %get3A_471 = arith.constant 48 : index
        %get3A_472 = tpu.vector_load %arg9[%get3A_470, %get3A_471] {strides = array<i32>} : memref<200x64xf32, #tpu.memory_space<vmem>>, vector<1x16xf32>,
        %get3A_473 = vector.shape_cast %get3A_472 : vector<1x16xf32> to vector<16xf32>
        %add3A_474 = arith.addf %get3A_353, %get3A_385 : vector<16xf32>
        %add3A_475 = arith.addf %get3A_417, %get3A_449 : vector<16xf32>
        %add3A_476 = arith.addf %add3A_474, %add3A_475 : vector<16xf32>
        %add3A_477 = arith.addf %scan3A_343, %add3A_476 : vector<16xf32>
        %add3A_478 = arith.addf %get3A_361, %get3A_393 : vector<16xf32>
        %add3A_479 = arith.addf %get3A_425, %get3A_457 : vector<16xf32>
        %add3A_480 = arith.addf %add3A_478, %add3A_479 : vector<16xf32>
        %add3A_481 = arith.addf %scan3A_344, %add3A_480 : vector<16xf32>
        %add3A_482 = arith.addf %get3A_369, %get3A_401 : vector<16xf32>
        %add3A_483 = arith.addf %get3A_433, %get3A_465 : vector<16xf32>
        %add3A_484 = arith.addf %add3A_482, %add3A_483 : vector<16xf32>
        %add3A_485 = arith.addf %scan3A_345, %add3A_484 : vector<16xf32>
        %add3A_486 = arith.addf %get3A_377, %get3A_409 : vector<16xf32>
        %add3A_487 = arith.addf %get3A_441, %get3A_473 : vector<16xf32>
        %add3A_488 = arith.addf %add3A_486, %add3A_487 : vector<16xf32>
        %add3A_489 = arith.addf %scan3A_346, %add3A_488 : vector<16xf32>
        scf.yield %add3A_477, %add3A_481, %add3A_485, %add3A_489 : vector<16xf32>, vector<16xf32>, vector<16xf32>, vector<16xf32>
      }
      %scan3A_299 = arith.constant 50 : i32
      %swap3A_300 = arith.index_cast %add3A_287 : i32 to index
      %swap3A_301 = arith.constant 0 : index
      %swap3A_302 = tpu.vector_load %arg10[%swap3A_300, %swap3A_301] {strides = array<i32>} : memref<128x64xf32, #tpu.memory_space<vmem>>, vector<1x16xf32>,
      %swap3A_303 = vector.shape_cast %swap3A_302 : vector<1x16xf32> to vector<16xf32>
      %swap3A_304 = vector.shape_cast %scan3A_298#0 : vector<16xf32> to vector<1x16xf32>
      tpu.vector_store %arg10[%swap3A_300, %swap3A_301], %swap3A_304 {strides = array<i32>} : memref<128x64xf32, #tpu.memory_space<vmem>>, vector<1x16xf32>,
      %swap3A_305 = arith.index_cast %add3A_287 : i32 to index
      %swap3A_306 = arith.constant 16 : index
      %swap3A_307 = tpu.vector_load %arg10[%swap3A_305, %swap3A_306] {strides = array<i32>} : memref<128x64xf32, #tpu.memory_space<vmem>>, vector<1x16xf32>,
      %swap3A_308 = vector.shape_cast %swap3A_307 : vector<1x16xf32> to vector<16xf32>
      %swap3A_309 = vector.shape_cast %scan3A_298#1 : vector<16xf32> to vector<1x16xf32>
      tpu.vector_store %arg10[%swap3A_305, %swap3A_306], %swap3A_309 {strides = array<i32>} : memref<128x64xf32, #tpu.memory_space<vmem>>, vector<1x16xf32>,
      %swap3A_310 = arith.index_cast %add3A_287 : i32 to index
      %swap3A_311 = arith.constant 32 : index
      %swap3A_312 = tpu.vector_load %arg10[%swap3A_310, %swap3A_311] {strides = array<i32>} : memref<128x64xf32, #tpu.memory_space<vmem>>, vector<1x16xf32>,
      %swap3A_313 = vector.shape_cast %swap3A_312 : vector<1x16xf32> to vector<16xf32>
      %swap3A_314 = vector.shape_cast %scan3A_298#2 : vector<16xf32> to vector<1x16xf32>
      tpu.vector_store %arg10[%swap3A_310, %swap3A_311], %swap3A_314 {strides = array<i32>} : memref<128x64xf32, #tpu.memory_space<vmem>>, vector<1x16xf32>,
      %swap3A_315 = arith.index_cast %add3A_287 : i32 to index
      %swap3A_316 = arith.constant 48 : index
      %swap3A_317 = tpu.vector_load %arg10[%swap3A_315, %swap3A_316] {strides = array<i32>} : memref<128x64xf32, #tpu.memory_space<vmem>>, vector<1x16xf32>,
      %swap3A_318 = vector.shape_cast %swap3A_317 : vector<1x16xf32> to vector<16xf32>
      %swap3A_319 = vector.shape_cast %scan3A_298#3 : vector<16xf32> to vector<1x16xf32>
      tpu.vector_store %arg10[%swap3A_315, %swap3A_316], %swap3A_319 {strides = array<i32>} : memref<128x64xf32, #tpu.memory_space<vmem>>, vector<1x16xf32>,
      %add3A_320 = arith.constant 4 : i32
      %add3A_321 = arith.addi %add3A_287, %add3A_320 : i32
      %min3A_322 = arith.constant 127 : i32
      %min3A_323 = arith.minsi %add3A_321, %min3A_322 : i32
      %dma_start3A_324 = arith.constant 0 : i32
      %dma_start3A_325 = arith.constant 0 : i32
      %dma_start3A_326 = tpu.memref_slice %arg9[%dma_start3A_324, %dma_start3A_325] : memref<200x64xf32, #tpu.memory_space<vmem>> -> memref<128x64xf32, #tpu.memory_space<vmem>>
      %dma_start3A_327 = arith.constant 0 : i32
      %dma_start3A_328 = tpu.memref_slice %arg5[%min3A_323, %dma_start3A_327] : memref<128x200xi32, #tpu.memory_space<vmem>> -> memref<1x128xi32, #tpu.memory_space<vmem>>
      %dma_start3A_329 = tpu.memref_squeeze %dma_start3A_328 : memref<1x128xi32, #tpu.memory_space<vmem>> -> memref<128xi32, #tpu.memory_space<vmem>>
      %dma_start3A_330 = arith.constant 0 : i32
      %dma_start3A_331 = arith.constant 0 : i32
      %dma_start3A_332 = tpu.memref_slice %arg3[%dma_start3A_330, %dma_start3A_331] : memref<100000x64xf32, #tpu.memory_space<hbm>> -> memref<100000x64xf32, #tpu.memory_space<hbm>>
      tpu.enqueue_indirect_dma source(%dma_start3A_332 : memref<100000x64xf32, #tpu.memory_space<hbm>>) target(%dma_start3A_326 : memref<128x64xf32, #tpu.memory_space<vmem>>) offsets(%dma_start3A_329 : memref<128xi32, #tpu.memory_space<vmem>>) semaphore(%arg14 : memref<!tpu.dma_semaphore, #tpu.memory_space<semaphore_mem>>)
      %dma_start3A_333 = arith.constant 128 : i32
      %dma_start3A_334 = arith.constant 0 : i32
      %dma_start3A_335 = tpu.memref_slice %arg9[%dma_start3A_333, %dma_start3A_334] : memref<200x64xf32, #tpu.memory_space<vmem>> -> memref<72x64xf32, #tpu.memory_space<vmem>>
      %dma_start3A_336 = arith.constant 128 : i32
      %dma_start3A_337 = tpu.memref_slice %arg5[%min3A_323, %dma_start3A_336] : memref<128x200xi32, #tpu.memory_space<vmem>> -> memref<1x72xi32, #tpu.memory_space<vmem>>
      %dma_start3A_338 = tpu.memref_squeeze %dma_start3A_337 : memref<1x72xi32, #tpu.memory_space<vmem>> -> memref<72xi32, #tpu.memory_space<vmem>>
      %dma_start3A_339 = arith.constant 0 : i32
      %dma_start3A_340 = arith.constant 0 : i32
      %dma_start3A_341 = tpu.memref_slice %arg3[%dma_start3A_339, %dma_start3A_340] : memref<100000x64xf32, #tpu.memory_space<hbm>> -> memref<100000x64xf32, #tpu.memory_space<hbm>>
      tpu.enqueue_indirect_dma source(%dma_start3A_341 : memref<100000x64xf32, #tpu.memory_space<hbm>>) target(%dma_start3A_335 : memref<72x64xf32, #tpu.memory_space<vmem>>) offsets(%dma_start3A_338 : memref<72xi32, #tpu.memory_space<vmem>>) semaphore(%arg14 : memref<!tpu.dma_semaphore, #tpu.memory_space<semaphore_mem>>)
    }
    %scan3A_87 = arith.constant 32 : i32
    %dma_wait3A = arith.constant 0 : i32
    %dma_wait3A_88 = arith.constant 0 : i32
    %dma_wait3A_89 = tpu.memref_slice %arg3[%dma_wait3A, %dma_wait3A_88] : memref<100000x64xf32, #tpu.memory_space<hbm>> -> memref<200x64xf32, #tpu.memory_space<hbm>>
    %dma_wait3A_90 = arith.constant 0 : i32
    %dma_wait3A_91 = arith.constant 0 : i32
    %dma_wait3A_92 = tpu.memref_slice %arg3[%dma_wait3A_90, %dma_wait3A_91] : memref<100000x64xf32, #tpu.memory_space<hbm>> -> memref<200x64xf32, #tpu.memory_space<hbm>>
    tpu.wait_dma2 semaphore(%arg11 : memref<!tpu.dma_semaphore, #tpu.memory_space<semaphore_mem>>) src(%dma_wait3A_92 : memref<200x64xf32, #tpu.memory_space<hbm>>) dst(%arg6 : memref<200x64xf32, #tpu.memory_space<vmem>>)
    %dma_wait3A_93 = arith.constant 0 : i32
    %dma_wait3A_94 = arith.constant 0 : i32
    %dma_wait3A_95 = tpu.memref_slice %arg3[%dma_wait3A_93, %dma_wait3A_94] : memref<100000x64xf32, #tpu.memory_space<hbm>> -> memref<200x64xf32, #tpu.memory_space<hbm>>
    %dma_wait3A_96 = arith.constant 0 : i32
    %dma_wait3A_97 = arith.constant 0 : i32
    %dma_wait3A_98 = tpu.memref_slice %arg3[%dma_wait3A_96, %dma_wait3A_97] : memref<100000x64xf32, #tpu.memory_space<hbm>> -> memref<200x64xf32, #tpu.memory_space<hbm>>
    tpu.wait_dma2 semaphore(%arg12 : memref<!tpu.dma_semaphore, #tpu.memory_space<semaphore_mem>>) src(%dma_wait3A_98 : memref<200x64xf32, #tpu.memory_space<hbm>>) dst(%arg7 : memref<200x64xf32, #tpu.memory_space<vmem>>)
    %dma_wait3A_99 = arith.constant 0 : i32
    %dma_wait3A_100 = arith.constant 0 : i32
    %dma_wait3A_101 = tpu.memref_slice %arg3[%dma_wait3A_99, %dma_wait3A_100] : memref<100000x64xf32, #tpu.memory_space<hbm>> -> memref<200x64xf32, #tpu.memory_space<hbm>>
    %dma_wait3A_102 = arith.constant 0 : i32
    %dma_wait3A_103 = arith.constant 0 : i32
    %dma_wait3A_104 = tpu.memref_slice %arg3[%dma_wait3A_102, %dma_wait3A_103] : memref<100000x64xf32, #tpu.memory_space<hbm>> -> memref<200x64xf32, #tpu.memory_space<hbm>>
    tpu.wait_dma2 semaphore(%arg13 : memref<!tpu.dma_semaphore, #tpu.memory_space<semaphore_mem>>) src(%dma_wait3A_104 : memref<200x64xf32, #tpu.memory_space<hbm>>) dst(%arg8 : memref<200x64xf32, #tpu.memory_space<vmem>>)
    %dma_wait3A_105 = arith.constant 0 : i32
    %dma_wait3A_106 = arith.constant 0 : i32
    %dma_wait3A_107 = tpu.memref_slice %arg3[%dma_wait3A_105, %dma_wait3A_106] : memref<100000x64xf32, #tpu.memory_space<hbm>> -> memref<200x64xf32, #tpu.memory_space<hbm>>
    %dma_wait3A_108 = arith.constant 0 : i32
    %dma_wait3A_109 = arith.constant 0 : i32
    %dma_wait3A_110 = tpu.memref_slice %arg3[%dma_wait3A_108, %dma_wait3A_109] : memref<100000x64xf32, #tpu.memory_space<hbm>> -> memref<200x64xf32, #tpu.memory_space<hbm>>
    tpu.wait_dma2 semaphore(%arg14 : memref<!tpu.dma_semaphore, #tpu.memory_space<semaphore_mem>>) src(%dma_wait3A_110 : memref<200x64xf32, #tpu.memory_space<hbm>>) dst(%arg9 : memref<200x64xf32, #tpu.memory_space<vmem>>)
    "tpu.region"() ({
      %run_scoped3A = tpu.sem_alloc : memref<!tpu.dma_semaphore, #tpu.memory_space<semaphore_mem>>
      %dma_start3A_111 = arith.constant 0 : i32
      %dma_start3A_112 = tpu.memref_slice %arg4[%mul3A_2, %dma_start3A_111] : memref<4096x64xf32, #tpu.memory_space<hbm>> -> memref<128x64xf32, #tpu.memory_space<hbm>>
      %dma_start3A_113 = arith.constant 0 : i32
      %dma_start3A_114 = tpu.memref_slice %arg4[%mul3A_2, %dma_start3A_113] : memref<4096x64xf32, #tpu.memory_space<hbm>> -> memref<128x64xf32, #tpu.memory_space<hbm>>
      tpu.enqueue_dma source(%arg10 : memref<128x64xf32, #tpu.memory_space<vmem>>) target(%dma_start3A_114 : memref<128x64xf32, #tpu.memory_space<hbm>>) target_semaphore(%run_scoped3A : memref<!tpu.dma_semaphore, #tpu.memory_space<semaphore_mem>>)
      %dma_wait3A_115 = arith.constant 0 : i32
      %dma_wait3A_116 = tpu.memref_slice %arg4[%mul3A_2, %dma_wait3A_115] : memref<4096x64xf32, #tpu.memory_space<hbm>> -> memref<128x64xf32, #tpu.memory_space<hbm>>
      %dma_wait3A_117 = arith.constant 0 : i32
      %dma_wait3A_118 = tpu.memref_slice %arg4[%mul3A_2, %dma_wait3A_117] : memref<4096x64xf32, #tpu.memory_space<hbm>> -> memref<128x64xf32, #tpu.memory_space<hbm>>
      tpu.wait_dma2 semaphore(%run_scoped3A : memref<!tpu.dma_semaphore, #tpu.memory_space<semaphore_mem>>) src(%arg10 : memref<128x64xf32, #tpu.memory_space<vmem>>) dst(%dma_wait3A_118 : memref<128x64xf32, #tpu.memory_space<hbm>>)
      tpu.yield
    }) : () -> ()
    return
  }
}

module attributes {stable_mosaic.version = 14 : i64} {
  func.func @_mlp_body(%arg0: i32, %arg1: memref<1024x64xf32, #tpu.memory_space<vmem>>, %arg2: memref<1024x200xi32, #tpu.memory_space<vmem>>, %arg3: memref<1x64xf32, #tpu.memory_space<vmem>>, %arg4: memref<64x128xf32, #tpu.memory_space<vmem>>, %arg5: memref<1x128xf32, #tpu.memory_space<vmem>>, %arg6: memref<128x128xf32, #tpu.memory_space<vmem>>, %arg7: memref<1x128xf32, #tpu.memory_space<vmem>>, %arg8: memref<128x1xf32, #tpu.memory_space<vmem>>, %arg9: memref<1x1xf32, #tpu.memory_space<vmem>>, %arg10: memref<1024x1xf32, #tpu.memory_space<vmem>>) attributes {dimension_semantics = [#tpu.dimension_semantics<arbitrary>], iteration_bounds = array<i64: 4>, scalar_prefetch = 0 : i64, scratch_operands = 0 : i64, tpu.core_type = #tpu.core_type<tc>, window_params = [{transform_indices = @transform_0, window_bounds = array<i64: 1024, 64>}, {transform_indices = @transform_1, window_bounds = array<i64: 1024, 200>}, {pipeline_mode = #tpu.pipeline_mode<synchronous>, transform_indices = @transform_2, window_bounds = array<i64: 1, 64>}, {pipeline_mode = #tpu.pipeline_mode<synchronous>, transform_indices = @transform_3, window_bounds = array<i64: 64, 128>}, {pipeline_mode = #tpu.pipeline_mode<synchronous>, transform_indices = @transform_4, window_bounds = array<i64: 1, 128>}, {pipeline_mode = #tpu.pipeline_mode<synchronous>, transform_indices = @transform_5, window_bounds = array<i64: 128, 128>}, {pipeline_mode = #tpu.pipeline_mode<synchronous>, transform_indices = @transform_6, window_bounds = array<i64: 1, 128>}, {pipeline_mode = #tpu.pipeline_mode<synchronous>, transform_indices = @transform_7, window_bounds = array<i64: 128, 1>}, {pipeline_mode = #tpu.pipeline_mode<synchronous>, transform_indices = @transform_8, window_bounds = array<i64: 1, 1>}, {transform_indices = @transform_9, window_bounds = array<i64: 1024, 1>}]} {
    %get3A = arith.constant 0 : index
    %get3A_0 = arith.constant 0 : index
    %get3A_1 = vector.load %arg2[%get3A, %get3A_0] : memref<1024x200xi32, #tpu.memory_space<vmem>>, vector<1024x200xi32>
    %eq3A = arith.constant 0 : i32
    %eq3A_2 = vector.broadcast %eq3A : i32 to vector<1024x200xi32>
    %eq3A_3 = arith.cmpi eq, %get3A_1, %eq3A_2 : vector<1024x200xi32>
    %convert_element_type3A = arith.extui %eq3A_3 : vector<1024x200xi1> to vector<1024x200xi32>
    %convert_element_type3A_4 = arith.sitofp %convert_element_type3A : vector<1024x200xi32> to vector<1024x200xf32>
    %reduce_sum3A = arith.constant dense<0.000000e+00> : vector<1024xf32>
    %reduce_sum3A_5 = vector.multi_reduction <add>, %convert_element_type3A_4, %reduce_sum3A [1] : vector<1024x200xf32> to vector<1024xf32>
    %broadcast_in_dim3A = vector.shape_cast %reduce_sum3A_5 : vector<1024xf32> to vector<1024x1xf32>
    %sub3A = arith.constant 2.000000e+02 : f32
    %sub3A_6 = vector.broadcast %sub3A : f32 to vector<1024x1xf32>
    %sub3A_7 = arith.subf %sub3A_6, %broadcast_in_dim3A : vector<1024x1xf32>
    %max3A = arith.constant 1.000000e+00 : f32
    %max3A_8 = vector.broadcast %max3A : f32 to vector<1024x1xf32>
    %max3A_9 = arith.maximumf %sub3A_7, %max3A_8 : vector<1024x1xf32>
    %get3A_10 = arith.constant 0 : index
    %get3A_11 = arith.constant 0 : index
    %get3A_12 = vector.load %arg1[%get3A_10, %get3A_11] : memref<1024x64xf32, #tpu.memory_space<vmem>>, vector<1024x64xf32>
    %get3A_13 = arith.constant 0 : index
    %get3A_14 = arith.constant 0 : index
    %get3A_15 = vector.load %arg3[%get3A_13, %get3A_14] : memref<1x64xf32, #tpu.memory_space<vmem>>, vector<1x64xf32>
    %mul3A = vector.broadcast %broadcast_in_dim3A : vector<1024x1xf32> to vector<1024x64xf32>
    %mul3A_16 = vector.broadcast %get3A_15 : vector<1x64xf32> to vector<1024x64xf32>
    %mul3A_17 = arith.mulf %mul3A, %mul3A_16 : vector<1024x64xf32>
    %sub3A_18 = arith.subf %get3A_12, %mul3A_17 : vector<1024x64xf32>
    %div3A = vector.broadcast %max3A_9 : vector<1024x1xf32> to vector<1024x64xf32>
    %div3A_19 = arith.divf %sub3A_18, %div3A : vector<1024x64xf32>
    %get3A_20 = arith.constant 0 : index
    %get3A_21 = arith.constant 0 : index
    %get3A_22 = vector.load %arg4[%get3A_20, %get3A_21] : memref<64x128xf32, #tpu.memory_space<vmem>>, vector<64x128xf32>
    %dot_general3A = arith.constant dense<0.000000e+00> : vector<1024x128xf32>
    %dot_general3A_23 = tpu.matmul %div3A_19, %get3A_22, %dot_general3A {dimension_numbers = #tpu.dot_dimension_numbers<[1], [0], [0], [1], [0, 0, 1, 1], [], []>, transpose_lhs_hint = false} : vector<1024x64xf32>, vector<64x128xf32>, vector<1024x128xf32> -> vector<1024x128xf32>
    %get3A_24 = arith.constant 0 : index
    %get3A_25 = arith.constant 0 : index
    %get3A_26 = vector.load %arg5[%get3A_24, %get3A_25] : memref<1x128xf32, #tpu.memory_space<vmem>>, vector<1x128xf32>
    %add3A = vector.broadcast %get3A_26 : vector<1x128xf32> to vector<1024x128xf32>
    %add3A_27 = arith.addf %dot_general3A_23, %add3A : vector<1024x128xf32>
    %max3A_28 = arith.constant 0.000000e+00 : f32
    %max3A_29 = vector.broadcast %max3A_28 : f32 to vector<1024x128xf32>
    %max3A_30 = arith.maximumf %add3A_27, %max3A_29 : vector<1024x128xf32>
    %get3A_31 = arith.constant 0 : index
    %get3A_32 = arith.constant 0 : index
    %get3A_33 = vector.load %arg6[%get3A_31, %get3A_32] : memref<128x128xf32, #tpu.memory_space<vmem>>, vector<128x128xf32>
    %dot_general3A_34 = arith.constant dense<0.000000e+00> : vector<1024x128xf32>
    %dot_general3A_35 = tpu.matmul %max3A_30, %get3A_33, %dot_general3A_34 {dimension_numbers = #tpu.dot_dimension_numbers<[1], [0], [0], [1], [0, 0, 1, 1], [], []>, transpose_lhs_hint = false} : vector<1024x128xf32>, vector<128x128xf32>, vector<1024x128xf32> -> vector<1024x128xf32>
    %get3A_36 = arith.constant 0 : index
    %get3A_37 = arith.constant 0 : index
    %get3A_38 = vector.load %arg7[%get3A_36, %get3A_37] : memref<1x128xf32, #tpu.memory_space<vmem>>, vector<1x128xf32>
    %add3A_39 = vector.broadcast %get3A_38 : vector<1x128xf32> to vector<1024x128xf32>
    %add3A_40 = arith.addf %dot_general3A_35, %add3A_39 : vector<1024x128xf32>
    %max3A_41 = arith.constant 0.000000e+00 : f32
    %max3A_42 = vector.broadcast %max3A_41 : f32 to vector<1024x128xf32>
    %max3A_43 = arith.maximumf %add3A_40, %max3A_42 : vector<1024x128xf32>
    %get3A_44 = arith.constant 0 : index
    %get3A_45 = arith.constant 0 : index
    %get3A_46 = vector.load %arg8[%get3A_44, %get3A_45] : memref<128x1xf32, #tpu.memory_space<vmem>>, vector<128x1xf32>
    %dot_general3A_47 = arith.constant dense<0.000000e+00> : vector<1024x1xf32>
    %dot_general3A_48 = tpu.matmul %max3A_43, %get3A_46, %dot_general3A_47 {dimension_numbers = #tpu.dot_dimension_numbers<[1], [0], [0], [1], [0, 0, 1, 1], [], []>, transpose_lhs_hint = false} : vector<1024x128xf32>, vector<128x1xf32>, vector<1024x1xf32> -> vector<1024x1xf32>
    %get3A_49 = arith.constant 0 : index
    %get3A_50 = arith.constant 0 : index
    %get3A_51 = vector.load %arg9[%get3A_49, %get3A_50] : memref<1x1xf32, #tpu.memory_space<vmem>>, vector<1x1xf32>
    %add3A_52 = vector.broadcast %get3A_51 : vector<1x1xf32> to vector<1024x1xf32>
    %add3A_53 = arith.addf %dot_general3A_48, %add3A_52 : vector<1024x1xf32>
    %swap3A = arith.constant 0 : index
    %swap3A_54 = arith.constant 0 : index
    %swap3A_55 = vector.load %arg10[%swap3A, %swap3A_54] : memref<1024x1xf32, #tpu.memory_space<vmem>>, vector<1024x1xf32>
    tpu.vector_store %arg10[%swap3A, %swap3A_54], %add3A_53 {strides = array<i32>} : memref<1024x1xf32, #tpu.memory_space<vmem>>, vector<1024x1xf32>,
    return
  }
  func.func @transform_0(%arg0: i32) -> (i32, i32) {
    %c0_i32 = arith.constant 0 : i32
    %c0_i32_0 = arith.constant 0 : i32
    return %arg0, %c0_i32 : i32, i32
  }
  func.func @transform_1(%arg0: i32) -> (i32, i32) {
    %c0_i32 = arith.constant 0 : i32
    %c0_i32_0 = arith.constant 0 : i32
    return %arg0, %c0_i32 : i32, i32
  }
  func.func @transform_2(%arg0: i32) -> (i32, i32) {
    %c0_i32 = arith.constant 0 : i32
    %c0_i32_0 = arith.constant 0 : i32
    %c0_i32_1 = arith.constant 0 : i32
    return %c0_i32, %c0_i32_0 : i32, i32
  }
  func.func @transform_3(%arg0: i32) -> (i32, i32) {
    %c0_i32 = arith.constant 0 : i32
    %c0_i32_0 = arith.constant 0 : i32
    %c0_i32_1 = arith.constant 0 : i32
    return %c0_i32, %c0_i32_0 : i32, i32
  }
  func.func @transform_4(%arg0: i32) -> (i32, i32) {
    %c0_i32 = arith.constant 0 : i32
    %c0_i32_0 = arith.constant 0 : i32
    %c0_i32_1 = arith.constant 0 : i32
    return %c0_i32, %c0_i32_0 : i32, i32
  }
  func.func @transform_5(%arg0: i32) -> (i32, i32) {
    %c0_i32 = arith.constant 0 : i32
    %c0_i32_0 = arith.constant 0 : i32
    %c0_i32_1 = arith.constant 0 : i32
    return %c0_i32, %c0_i32_0 : i32, i32
  }
  func.func @transform_6(%arg0: i32) -> (i32, i32) {
    %c0_i32 = arith.constant 0 : i32
    %c0_i32_0 = arith.constant 0 : i32
    %c0_i32_1 = arith.constant 0 : i32
    return %c0_i32, %c0_i32_0 : i32, i32
  }
  func.func @transform_7(%arg0: i32) -> (i32, i32) {
    %c0_i32 = arith.constant 0 : i32
    %c0_i32_0 = arith.constant 0 : i32
    %c0_i32_1 = arith.constant 0 : i32
    return %c0_i32, %c0_i32_0 : i32, i32
  }
  func.func @transform_8(%arg0: i32) -> (i32, i32) {
    %c0_i32 = arith.constant 0 : i32
    %c0_i32_0 = arith.constant 0 : i32
    %c0_i32_1 = arith.constant 0 : i32
    return %c0_i32, %c0_i32_0 : i32, i32
  }
  func.func @transform_9(%arg0: i32) -> (i32, i32) {
    %c0_i32 = arith.constant 0 : i32
    %c0_i32_0 = arith.constant 0 : i32
    return %arg0, %c0_i32 : i32, i32
  }
}

</mosaic_0001>

<sc_bundles>
// kernel: kernel.4.cloned.1.call-start
scs
__scs_entry_jumppad:
0x0: {  	(pc) =	sbr.rel $0x88, $3  }
0x1: {  	(tag) =	ssettag $0x0;
	lr =	simm.s32 $0x1  }
0x2: {  	[smem:$0x3F99] =	sst lr;
	_ =	strace $0xD0000000  }
0x3: {  	_ = 	snop  }
0x4: {  	_ = 	snop  }
0x5: {  	_ = 	snop  }
0x6: {  	_ = 	snop  }
0x7: {  	_ = 	snop  }
__scs_overlays_trampoline_lowered:
0x8: {  	[smem:$0x3FA8] =	sst s0  }
0x9: {  	[smem:$0x3FA9] =	sst s1  }
0xa: {  	[smem:$0x3FAA] =	sst s2  }
0xb: {  	[smem:$0x3FAB] =	sst s3  }
0xc: {  	[smem:$0x3FAC] =	sst s4  }
0xd: {  	[smem:$0x3FAD] =	sst s5  }
0xe: {  	[smem:$0x3FAE] =	sst s6  }
0xf: {  	[smem:$0x3FAF] =	sst s7  }
0x10: {  	[smem:$0x3FB0] =	sst s8  }
0x11: {  	[smem:$0x3FB1] =	sst s9;
	s0 =	simm.s32 @!p0 $0x0  }
0x12: {  	s1 =	sld [smem:$0x3F97];
	s0 =	simm.s32 @p0 $0x1  }
0x13: {  	[smem:$0x3FB2] =	sst s0;
	s0 =	simm.s32 @!p1 $0x0  }
0x14: {  	s2 =	sld [smem:$0x3F96];
	s0 =	simm.s32 @p1 $0x1  }
0x15: {  	[smem:$0x3FB3] =	sst s0;
	s0 =	simm.s32 @!p2 $0x0  }
0x16: {  	s3 =	sld [smem:$0x3FDB];
	s0 =	simm.s32 @p2 $0x1  }
0x17: {  	s4 =	simm.s32 $0x1BF5;
	[smem:$0x3FB5] =	sst s0  }
0x18: {  	s0 =	sld [smem:$0x3F98];
	_ =	swait.ge [sflag:s4], $0x0  }
0x19: {  	s7 =	sld [smem:$0x3F99]  }
0x1a: {  	s8 =	sadd.s32 $0xFFFFE003, lr  }
0x1b: {  	s9 =	sadd.s32 $0xFFFFFEF7, lr;
	s5 =	simm.s32 $0xFFFFFFFF;
	p2 =	slt.u32 s8, $0xFFFFF086  }
0x1c: {  	p1 =	slt.u32 s9, $0xF7A;
	s5 =	simm.s32 @!p2 $0x0  }
0x1d: {  	s5 =	simm.s32 @p1 $0x1;
	p0 =	seq.s32 s7, s2  }
0x1e: {  	s7 =	smul.u32 @!p0 $0xF7A, s2;
	p2 =	seq.s32 @!p0 s5, $0x0  }
0x1f: {  	s9 =	smul.u32 $0xF7A, s1;
	s8 =	simm.s32 @!p0 $0x1BF5;
	p2 =	por !p2, p0  }
0x20: {  	[sflag:s8] =	ssyncset.s32 @!p0 $0xFFFFF086;
	s6 =	sadd.s32 @!p0 s3, s7;
	s7 =	simm.s32 @!p0 $0x108  }
0x21: {  	s3 =	sadd.s32 s3, s9;
	s6 =	sadd.s32 @!p0 $0x88, s6;
	s7 =	simm.s32 @p2 $0x1082  }
0x22: {  	[simem:s7], [sflag:s8] =	dma.local @!p0 [hbm:s6], $0xF7A  }
0x23: {  	s9 =	sor.u32 $0xD0000000, s2;
	s6 =	simm.s32 $0x108;
	_ =	swait.ge @!p0 [sflag:s8], $0x0  }
0x24: {  	s3 =	sadd.s32 $0x88, s3;
	s6 =	simm.s32 @!p1 $0x1082;
	[sflag:s4] =	ssyncset.s32 $0xFFFFF086  }
0x25: {  	[simem:s6], [sflag:s4] =	dma.local [hbm:s3], $0xF7A  }
0x26: {  	[smem:$0x3F99] =	sst s1;
	(tag) =	ssettag s2;
	_ =	strace s9  }
0x27: {  	s1 =	sld [smem:$0x3FA9]  }
0x28: {  	s2 =	sld [smem:$0x3FAA]  }
0x29: {  	s4 =	sld [smem:$0x3FAC]  }
0x2a: {  	p0 =	seq.s32 s5, $0x0;
	s5 =	sld [smem:$0x3FAD]  }
0x2b: {  	s6 =	sld [smem:$0x3FAE]  }
0x2c: {  	s7 =	sld [smem:$0x3FAF]  }
0x2d: {  	s3 =	simm.s32 $0x108;
	s8 =	sld [smem:$0x3FB0]  }
0x2e: {  	s3 =	simm.s32 @!p0 $0x1082;
	s9 =	sld [smem:$0x3FB1]  }
0x2f: {  	lr =	sadd.s32 s0, s3;
	s0 =	sld [smem:$0x3FA8]  }
0x30: {  	s3 =	sld [smem:$0x3FAB]  }
0x31: {  	[smem:$0x3FB4] =	sst s10  }
0x32: {  	s10 =	sld [smem:$0x3FB2];
	_ =	sdelay $0x3  }
0x33: {  	p0 =	seq.s32 s10, $0x1;
	s10 =	sld [smem:$0x3FB4];
	_ =	sdelay $0x3  }
0x34: {  	[smem:$0x3FB4] =	sst s10  }
0x35: {  	s10 =	sld [smem:$0x3FB3];
	_ =	sdelay $0x3  }
0x36: {  	p1 =	seq.s32 s10, $0x1;
	s10 =	sld [smem:$0x3FB4];
	_ =	sdelay $0x3  }
0x37: {  	[smem:$0x3FB4] =	sst s10  }
0x38: {  	s10 =	sld [smem:$0x3FB5]  }
0x39: {  	_ = 	snop;
	(pc) =	sbr.ind lr, $3  }
0x3a: {  	_ = 	snop  }
0x3b: {  	_ = 	snop  }
0x3c: {  	p2 =	seq.s32 s10, $0x1;
	s10 =	sld [smem:$0x3FB4]  }
0x3d: {  	_ =	shalt  }
0x3e: {  	_ =	shalt  }
0x3f: {  	_ =	shalt  }
0x40: {  	_ =	shalt  }
0x41: {  	_ =	shalt  }
0x42: {  	_ =	shalt  }
0x43: {  	_ =	shalt  }
0x44: {  	_ =	shalt  }
0x45: {  	_ =	shalt  }
0x46: {  	_ =	shalt  }
0x47: {  	_ =	shalt  }
0x48: {  	_ =	shalt  }
0x49: {  	_ =	shalt  }
0x4a: {  	_ =	shalt  }
0x4b: {  	_ =	shalt  }
0x4c: {  	_ =	shalt  }
0x4d: {  	_ =	shalt  }
0x4e: {  	_ =	shalt  }
0x4f: {  	_ =	shalt  }
0x50: {  	_ =	shalt  }
0x51: {  	_ =	shalt  }
0x52: {  	_ =	shalt  }
0x53: {  	_ =	shalt  }
0x54: {  	_ =	shalt  }
0x55: {  	_ =	shalt  }
0x56: {  	_ =	shalt  }
0x57: {  	_ =	shalt  }
0x58: {  	_ =	shalt  }
0x59: {  	_ =	shalt  }
0x5a: {  	_ =	shalt  }
0x5b: {  	_ =	shalt  }
0x5c: {  	_ =	shalt  }
0x5d: {  	_ =	shalt  }
0x5e: {  	_ =	shalt  }
0x5f: {  	_ =	shalt  }
0x60: {  	_ =	shalt  }
0x61: {  	_ =	shalt  }
0x62: {  	_ =	shalt  }
0x63: {  	_ =	shalt  }
0x64: {  	_ =	shalt  }
0x65: {  	_ =	shalt  }
0x66: {  	_ =	shalt  }
0x67: {  	_ =	shalt  }
0x68: {  	_ =	shalt  }
0x69: {  	_ =	shalt  }
0x6a: {  	_ =	shalt  }
0x6b: {  	_ =	shalt  }
0x6c: {  	_ =	shalt  }
0x6d: {  	_ =	shalt  }
0x6e: {  	_ =	shalt  }
0x6f: {  	_ =	shalt  }
0x70: {  	_ =	shalt  }
0x71: {  	_ =	shalt  }
0x72: {  	_ =	shalt  }
0x73: {  	_ =	shalt  }
0x74: {  	_ =	shalt  }
0x75: {  	_ =	shalt  }
0x76: {  	_ =	shalt  }
0x77: {  	_ =	shalt  }
0x78: {  	_ =	shalt  }
0x79: {  	_ =	shalt  }
0x7a: {  	_ =	shalt  }
0x7b: {  	_ =	shalt  }
0x7c: {  	_ =	shalt  }
0x7d: {  	_ =	shalt  }
0x7e: {  	_ =	shalt  }
0x7f: {  	_ =	shalt  }
0x80: {  	_ =	shalt  }
0x81: {  	_ =	shalt  }
0x82: {  	_ =	shalt  }
0x83: {  	_ =	shalt  }
0x84: {  	_ =	shalt  }
0x85: {  	_ =	shalt  }
0x86: {  	_ =	shalt  }
0x87: {  	_ =	shalt  }
.Lfunc_end0:
.L_simem_size_0:
called_computation_lowered:
.L_overlay_start_0:
0x88: {  	s2 =	sld [smem:$0x3FD9]  }
0x89: {  	s3 =	sld [smem:$0x3FFE];
	_ =	sdelay $0x1  }
0x8a: {  	s1 =	srdreg.scid  }
0x8b: {  	s0 =	sand.u32 $0x1, s1  }
0x8c: {  	s16 =	sshll.u32 s0, $0xA;
	s2 =	sadd.s32 s3, s2  }
0x8d: {  	s2 =	sadd.s32 s2, s16  }
0x8e: {  	[smem:$0x3FC0] =	sst s2  }
0x8f: {  	_ = 	snop  }
0x90: {  	(tm) =	ssettm $0x1  }
0x91: {  	s17 =	sld [smem:$0x3FFB];
	_ =	sdelay $0x3  }
0x92: {  	_ =	strace s17  }
0x93: {  	s2 =	sld [smem:$0x3FFC];
	_ =	sdelay $0x3  }
0x94: {  	_ =	strace s2  }
0x95: {  	s2 =	sld [smem:$0x3FFD];
	_ =	sdelay $0x3  }
0x96: {  	_ =	strace s2  }
0x97: {  	_ =	strace $0x8FFFFFFF  }
0x98: {  	s18 =	sld [smem:$0x3FDB];
	_ =	sdelay $0x1  }
0x99: {  	s19 =	simm.s32 $_scs_section_size  }
0x9a: {  	s4 =	simm.s32 $_size__tile_overlayer_lowered;
	s5 =	simm.s32 $_tile_overlayer_lowered  }
0x9b: {  	s22 =	simm.s32 $0x1BFF;
	s21 =	sshll.u32 s5, $0x1;
	s2 =	sadd.s32 s19, s18  }
0x9c: {  	s6 =	simm.s32 $0x0;
	s20 =	sshll.u32 s4, $0x1;
	s4 =	sadd.s32 s21, s2  }
0x9d: {  	[timem:s6], [sflag:s22] =	dma.local [hbm:s4], s20  }
0x9e: {  	_ =	swait.ge [sflag:s22], s20  }
0x9f: {  	s3 =	ssub.s32 $0x0, s20;
	[sflag:s22] =	ssyncset.done $0x0  }
0xa0: {  	[sflag:s22] =	ssyncadd.s32 s3;
	_ =	sdelay $0x1  }
0xa1: {  	s23 =	simm.s32 $0x1B8B  }
0xa2: {  	_ =	swait.ge [sflag:s23], $0x1  }
0xa3: {  	[sflag:s23] =	ssyncset.done $0x0  }
0xa4: {  	s25 =	simm.s32 $0x1B8E;
	s24 =	sld [smem:$0x3FFE];
	[sflag:s23] =	ssyncadd.s32 $0xFFFFFFFF  }
0xa5: {  	s26 =	simm.s32 $execute0_lowered;
	[smem:$0x3FD2] =	sst s25  }
0xa6: {  	s4 =	sshll.u32 s26, $0x1;
	_ =	strace $0x80000046;
	[dreg:$0x1] =	wrdreg $0xFFFFFFFF  }
0xa7: {  	s28 =	simm.s32 $_size_execute0_lowered;
	s2 =	sadd.s32 s2, s4;
	[dreg:$0x0] =	wrdreg $0x0  }
0xa8: {  	s4 =	sshll.u32 s28, $0x1;
	[dreg:$0x2] =	wrdreg s2  }
0xa9: {  	[dreg:$0x3] =	wrdreg s4  }
0xaa: {  	[dreg:$0x4] =	wrdreg $0xC0  }
0xab: {  	_ =	task [dreg:s6], $0x5FFFF  }
0xac: {  	[dreg:$0x1] =	wrdreg $0xFFFFFFFF  }
0xad: {  	[dreg:$0x0] =	wrdreg $0x60  }
0xae: {  	[dreg:$0x2] =	wrdreg s24  }
0xaf: {  	[dreg:$0x3] =	wrdreg $0x9  }
0xb0: {  	_ =	task.clear_ibuf [dreg:s6], $0x4FFFF;
	_ =	strace $0x90000046  }
0xb1: {  	s29 =	simm.s32 $0x9;
	_ =	strace $0x80000048  }
0xb2: {  	_ =	swait.ge [sflag:s29], $0x1  }
0xb3: {  	[sflag:s29] =	ssyncadd.s32 $0xFFFFFFFF  }
0xb4: {  	_ =	strace $0x90000048  }
0xb5: {  	_ =	sfence  }
0xb6: {  	s30 =	sld [smem:$0x0];
	_ =	sdelay $0x2  }
0xb7: {  	s31 =	sshll.u32 s1, $0xD;
	s1 =	sshrl.u32 s1, $0x2  }
0xb8: {  	s3 =	sand.u32 $0x4000, s31;
	s1 =	sadd.s32 s1, s30  }
0xb9: {  	s0 =	sor.u32 s3, s0;
	s1 =	sshll.u32 s1, $0x11  }
0xba: {  	s0 =	sor.u32 s1, s0  }
0xbb: {  	s0 =	sadd.s32 $0x8F2B, s0  }
0xbc: {  	[sflag:s0] =	ssyncadd.remote.s32 $0x1  }
0xbd: {  	_ =	sfence.sel $0xFFFF  }
0xbe: {  	[dreg:$0x0] =	wrdreg $0xFFFFFFFF;
	(pc) =	sbr.abs _section_cstart, $3  }
0xbf: {  	[dreg:$0x1] =	wrdreg $0xFFFFFFFF  }
0xc0: {  	_ =	task.clear_ibuf [dreg:s6], $0x2FFFF;
	_ =	strace $0x9FFFFFFF  }
0xc1: {  	(tm) =	ssettm $0x7FFFFFFF  }
tec
execute0_lowered:
.L_overlay_start_1:
0x0: {  	(tag) =	ssettag $0x1  }
0x1: {  	s0 =	srdreg.scid  }
0x2: {  	s2 =	stileid.u32;
	s1 =	rddreg [dreg:$0x0]  }
0x3: {  	s7 =	simm.s32 $0x5;
	s8 =	simm.s32 $0x80;
	s9 =	simm.s32 $0x6400  }
0x4: {  	s10 =	simm.s32 $0x48;
	s11 =	simm.s32 $0x8400;
	s13 =	simm.s32 $0x9600  }
0x5: {  	s15 =	simm.s32 $0xB600;
	s16 =	simm.s32 $0x190;
	s17 =	simm.s32 $0xC800  }
0x6: {  	s18 =	simm.s32 $0x210;
	s19 =	simm.s32 $0xE800;
	s20 =	simm.s32 $0x258  }
0x7: {  	s21 =	simm.s32 $0xFA00;
	s22 =	simm.s32 $0x2D8;
	s23 =	simm.s32 $0x11A00  }
0x8: {  	s24 =	simm.s32 $0x1;
	s25 =	simm.s32 $0x2;
	s26 =	simm.s32 $0x3  }
0x9: {  	s28 =	simm.s32 $0x4;
	s29 =	simm.s32 $0x12C00;
	s0 =	sand.u32 $0x1, s0  }
0xa: {  	s3 =	sshll.u32 s2, $0x8;
	s2 =	simm.s32 $0x0;
	s4 =	sshll.u32 s0, $0x7  }
0xb: {  	s30 =	simm.s32 $0x0;
	[smem:$0x7FF] =	sst s2;
	s3 =	sor.u32 s4, s3  }
0xc: {  	s0 =	ssub.s32 $0x2, s0;
	_ =	strace $0x80000047;
	s4 =	smul.u32 $0x19, s3  }
0xd: {  	s31 =	sshrl.u32 s0, $0x1;
	s5 =	sshll.u32 s3, $0x3;
	s3 =	sadd.s32 $0x1A0800, s1  }
0xe: {  	s0 =	ssub.s32 s0, s31;
	s4 =	sadd.s32 s4, s1;
	s1 =	sadd.s32 s5, s1  }
0xf: {  	s6 =	smax.u32 s0, $0x1;
	s4 =	sadd.s32 $0xE00, s4;
	s5 =	sadd.s32 $0x263E00, s1  }
.LBB2_1:
0x10: {  	[tilespmem:s2], [sflag:$0x5] =	stream.linear.gather [hbm4b:s4+s2], $0x6400, $0x38;
	[tilespmem:$0x14C00] =	vst v63  }
0x11: {  	_ =	swait.ge [sflag:s7], $0x6400  }
0x12: {  	[sflag:s7] =	ssyncset.done $0x0  }
0x13: {  	[sflag:s7] =	ssyncadd.s32 $0xFFFF9C00  }
0x14: {  	[tilespmem:s9], [sflag:$0x1] =	stream.indirect.gather [hbm4b:s3+s8], $0x40, s2, s8, $0xb8;
	[tilespmem:$0x14C00] =	vst v63  }
0x15: {  	_ = 	snop  }
0x16: {  	[tilespmem:s11], [sflag:$0x1] =	stream.indirect.gather [hbm4b:s3+s10], $0x40, s8, s10, $0xb8;
	[tilespmem:$0x14C00] =	vst v63  }
0x17: {  	s0 =	simm.s32 $0xC8  }
0x18: {  	[tilespmem:s13], [sflag:$0x2] =	stream.indirect.gather [hbm4b:s3+s8], $0x40, s0, s8, $0xb8;
	[tilespmem:$0x14C00] =	vst v63  }
0x19: {  	s14 =	simm.s32 $0x148  }
0x1a: {  	[tilespmem:s15], [sflag:$0x2] =	stream.indirect.gather [hbm4b:s3+s10], $0x40, s14, s10, $0xb8;
	[tilespmem:$0x14C00] =	vst v63  }
0x1b: {  	_ = 	snop  }
0x1c: {  	[tilespmem:s17], [sflag:$0x3] =	stream.indirect.gather [hbm4b:s3+s8], $0x40, s16, s8, $0xb8;
	[tilespmem:$0x14C00] =	vst v63  }
0x1d: {  	_ = 	snop  }
0x1e: {  	[tilespmem:s19], [sflag:$0x3] =	stream.indirect.gather [hbm4b:s3+s10], $0x40, s18, s10, $0xb8;
	[tilespmem:$0x14C00] =	vst v63  }
0x1f: {  	_ = 	snop  }
0x20: {  	[tilespmem:s21], [sflag:$0x4] =	stream.indirect.gather [hbm4b:s3+s8], $0x40, s20, s8, $0xb8;
	[tilespmem:$0x14C00] =	vst v63  }
0x21: {  	s31 =	simm.s32 $0x0  }
0x22: {  	[tilespmem:s23], [sflag:$0x4] =	stream.indirect.gather [hbm4b:s3+s10], $0x40, s22, s10, $0xb8;
	[tilespmem:$0x14C00] =	vst v63  }
.LBB2_2:
0x23: {  	_ =	swait.ge [sflag:s24], $0x3200  }
0x24: {  	[sflag:s24] =	ssyncset.done $0x0  }
0x25: {  	s1 =	simm.s32 $0x0;
	[sflag:s24] =	ssyncadd.s32 $0xFFFFCE00  }
0x26: {  	v0 =	vld [tilespmem:s1+$0x6430]  }
0x27: {  	v1 =	vld [tilespmem:s1+$0x6470]  }
0x28: {  	v2 =	vld [tilespmem:s1+$0x64B0]  }
0x29: {  	v3 =	vld [tilespmem:s1+$0x64F0]  }
0x2a: {  	v5 =	vld [tilespmem:s1+$0x6400]  }
0x2b: {  	v7 =	vld [tilespmem:s1+$0x6410]  }
0x2c: {  	v8 =	vld [tilespmem:s1+$0x6420]  }
0x2d: {  	v9 =	vld [tilespmem:s1+$0x6440]  }
0x2e: {  	v11 =	vld [tilespmem:s1+$0x6450]  }
0x2f: {  	v14 =	vld [tilespmem:s1+$0x6460]  }
0x30: {  	v15 =	vld [tilespmem:s1+$0x6480]  }
0x31: {  	v6 =	vld [tilespmem:s1+$0x6490]  }
0x32: {  	v4 =	vld [tilespmem:s1+$0x64A0]  }
0x33: {  	v0 =	vadd.f32 v1, v0;
	v1 =	vadd.f32 v3, v2;
	v2 =	vld [tilespmem:s1+$0x64C0]  }
0x34: {  	v13 =	vld [tilespmem:s1+$0x64D0]  }
0x35: {  	s0 =	simm.s32 $0x100;
	v12 =	vld [tilespmem:s1+$0x64E0];
	v10 =	vadd.f32 v9, v5  }
0x36: {  	v5 =	vld [tilespmem:s0+$0x6430];
	v11 =	vadd.f32 v11, v7;
	v0 =	vadd.f32 v1, v0  }
0x37: {  	v8 =	vadd.f32 v14, v8;
	v7 =	vld [tilespmem:s0+$0x6470];
	v3 =	vimm.f32 $0.0e+00;
	v1 =	vimm.f32 $0.0e+00  }
0x38: {  	v9 =	vld [tilespmem:s0+$0x64B0];
	s1 =	simm.s32 $0x800;
	v0 =	vadd.f32 v0, v1;
	v14 =	vadd.f32 v2, v15;
	v2 =	vimm.f32 $0.0e+00  }
.LBB2_3:
0x39: {  	p0 =	sne.s32 s1, $0xC400;
	v15 =	vld [tilespmem:s0+$0x64F0];
	v6 =	vadd.f32 v13, v6  }
0x3a: {  	v13 =	vld [tilespmem:s0+$0x6400];
	v10 =	vadd.f32 v14, v10;
	v4 =	vadd.f32 v12, v4  }
0x3b: {  	v12 =	vld [tilespmem:s0+$0x6410];
	v6 =	vadd.f32 v6, v11  }
0x3c: {  	v14 =	vld [tilespmem:s0+$0x6420];
	v1 =	vadd.f32 v10, v1;
	v4 =	vadd.f32 v4, v8  }
0x3d: {  	v8 =	vld [tilespmem:s0+$0x6440];
	v3 =	vadd.f32 v6, v3  }
0x3e: {  	v5 =	vadd.f32 v7, v5;
	v11 =	vld [tilespmem:s0+$0x6450];
	v6 =	vadd.f32 v15, v9  }
0x3f: {  	v2 =	vadd.f32 v4, v2;
	v7 =	vld [tilespmem:s0+$0x6460]  }
0x40: {  	v15 =	vld [tilespmem:s0+$0x6480];
	v5 =	vadd.f32 v6, v5  }
0x41: {  	v6 =	vld [tilespmem:s0+$0x6490]  }
0x42: {  	v4 =	vld [tilespmem:s0+$0x64A0];
	v10 =	vadd.f32 v8, v13;
	v0 =	vadd.f32 v5, v0  }
0x43: {  	v16 =	vld [tilespmem:s0+$0x64C0];
	v11 =	vadd.f32 v11, v12  }
.Ltmp0:
0x44: {  	v13 =	vld [tilespmem:s0+$0x64D0];
	v8 =	vadd.f32 v7, v14;
	(pc) =	sbr.rel @p0 .LBB2_3-.Ltmp0, $4  }
0x45: {  	v12 =	vld [tilespmem:s0+$0x64E0];
	s0 =	sshra.s32 s1, $0x2  }
0x46: {  	v5 =	vld [tilespmem:s0+$0x6430]  }
0x47: {  	v7 =	vld [tilespmem:s0+$0x6470]  }
0x48: {  	s1 =	sadd.s32 $0x400, s1;
	v9 =	vld [tilespmem:s0+$0x64B0];
	v14 =	vadd.f32 v16, v15  }
0x49: {  	v15 =	vld [tilespmem:s0+$0x64F0]  }
0x4a: {  	v16 =	vld [tilespmem:s0+$0x6400]  }
0x4b: {  	v17 =	vld [tilespmem:s0+$0x6410]  }
0x4c: {  	v18 =	vld [tilespmem:s0+$0x6420]  }
0x4d: {  	v19 =	vld [tilespmem:s0+$0x6440]  }
0x4e: {  	v20 =	vld [tilespmem:s0+$0x6450]  }
0x4f: {  	v21 =	vld [tilespmem:s0+$0x6460]  }
0x50: {  	v22 =	vld [tilespmem:s0+$0x6480]  }
0x51: {  	v23 =	vld [tilespmem:s0+$0x6490];
	v6 =	vadd.f32 v13, v6  }
0x52: {  	v13 =	vld [tilespmem:s0+$0x64A0];
	v10 =	vadd.f32 v14, v10;
	v4 =	vadd.f32 v12, v4  }
0x53: {  	v12 =	vld [tilespmem:s0+$0x64C0];
	v6 =	vadd.f32 v6, v11  }
0x54: {  	v11 =	vld [tilespmem:s0+$0x64D0];
	v1 =	vadd.f32 v10, v1;
	v4 =	vadd.f32 v4, v8  }
0x55: {  	v8 =	vld [tilespmem:s0+$0x64E0];
	v5 =	vadd.f32 v7, v5;
	v3 =	vadd.f32 v6, v3  }
0x56: {  	v6 =	vadd.f32 v15, v9;
	v7 =	vadd.f32 v19, v16  }
0x57: {  	v9 =	vadd.f32 v20, v17;
	v2 =	vadd.f32 v4, v2  }
0x58: {  	v10 =	vadd.f32 v12, v22;
	v12 =	vadd.f32 v21, v18  }
0x59: {  	v11 =	vadd.f32 v11, v23;
	v5 =	vadd.f32 v6, v5  }
0x5a: {  	v7 =	vadd.f32 v10, v7;
	v8 =	vadd.f32 v8, v13  }
0x5b: {  	s1 =	sshll.u32 s31, $0x8;
	s0 =	sshll.u32 s31, $0x2;
	v4 =	vadd.f32 v11, v9;
	v0 =	vadd.f32 v5, v0  }
0x5c: {  	s1 =	sand.u32 $0x3FFFFF00, s1;
	s12 =	smin.u32 s0, $0x7B;
	v1 =	vadd.f32 v7, v1;
	v7 =	vadd.f32 v8, v12  }
0x5d: {  	s12 =	smul.u32 $0x320, s12;
	v3 =	vadd.f32 v4, v3;
	[tilespmem:s1+$0x12C30] =	vst v0  }
0x5e: {  	v2 =	vadd.f32 v7, v2;
	[tilespmem:s1+$0x12C00] =	vst v1  }
0x5f: {  	s12 =	sshrl.u32 s12, $0x2;
	[tilespmem:s1+$0x12C10] =	vst v3  }
0x60: {  	s14 =	sadd.s32 $0x320, s12;
	[tilespmem:s1+$0x12C20] =	vst v2  }
0x61: {  	[tilespmem:s9], [sflag:$0x1] =	stream.indirect.gather [hbm4b:s3+s8], $0x40, s14, s8, $0xb8;
	[tilespmem:$0x14C00] =	vst v63  }
0x62: {  	s12 =	sadd.s32 $0x3A0, s12  }
0x63: {  	[tilespmem:s11], [sflag:$0x1] =	stream.indirect.gather [hbm4b:s3+s10], $0x40, s12, s10, $0xb8;
	[tilespmem:$0x14C00] =	vst v63  }
0x64: {  	_ =	swait.ge [sflag:s25], $0x3200  }
0x65: {  	[sflag:s25] =	ssyncset.done $0x0  }
0x66: {  	s14 =	simm.s32 $0x0;
	[sflag:s25] =	ssyncadd.s32 $0xFFFFCE00  }
0x67: {  	v0 =	vld [tilespmem:s14+$0x9630]  }
0x68: {  	v1 =	vld [tilespmem:s14+$0x9670]  }
0x69: {  	v2 =	vld [tilespmem:s14+$0x96B0]  }
0x6a: {  	v3 =	vld [tilespmem:s14+$0x96F0]  }
0x6b: {  	v5 =	vld [tilespmem:s14+$0x9600]  }
0x6c: {  	v7 =	vld [tilespmem:s14+$0x9610]  }
0x6d: {  	v8 =	vld [tilespmem:s14+$0x9620]  }
0x6e: {  	v9 =	vld [tilespmem:s14+$0x9640]  }
0x6f: {  	v11 =	vld [tilespmem:s14+$0x9650]  }
0x70: {  	v14 =	vld [tilespmem:s14+$0x9660]  }
0x71: {  	v15 =	vld [tilespmem:s14+$0x9680]  }
0x72: {  	v6 =	vld [tilespmem:s14+$0x9690]  }
0x73: {  	v4 =	vld [tilespmem:s14+$0x96A0]  }
0x74: {  	v0 =	vadd.f32 v1, v0;
	v1 =	vadd.f32 v3, v2;
	v2 =	vld [tilespmem:s14+$0x96C0]  }
0x75: {  	v13 =	vld [tilespmem:s14+$0x96D0]  }
0x76: {  	s12 =	simm.s32 $0x100;
	v12 =	vld [tilespmem:s14+$0x96E0];
	v10 =	vadd.f32 v9, v5  }
0x77: {  	v5 =	vld [tilespmem:s12+$0x9630];
	v11 =	vadd.f32 v11, v7;
	v0 =	vadd.f32 v1, v0  }
0x78: {  	v8 =	vadd.f32 v14, v8;
	v7 =	vld [tilespmem:s12+$0x9670];
	v3 =	vimm.f32 $0.0e+00;
	v1 =	vimm.f32 $0.0e+00  }
0x79: {  	v9 =	vld [tilespmem:s12+$0x96B0];
	s14 =	simm.s32 $0x800;
	v0 =	vadd.f32 v0, v1;
	v14 =	vadd.f32 v2, v15;
	v2 =	vimm.f32 $0.0e+00  }
.LBB2_5:
0x7a: {  	p0 =	sne.s32 s14, $0xC400;
	v15 =	vld [tilespmem:s12+$0x96F0];
	v6 =	vadd.f32 v13, v6  }
0x7b: {  	v13 =	vld [tilespmem:s12+$0x9600];
	v10 =	vadd.f32 v14, v10;
	v4 =	vadd.f32 v12, v4  }
0x7c: {  	v12 =	vld [tilespmem:s12+$0x9610];
	v6 =	vadd.f32 v6, v11  }
0x7d: {  	v14 =	vld [tilespmem:s12+$0x9620];
	v1 =	vadd.f32 v10, v1;
	v4 =	vadd.f32 v4, v8  }
0x7e: {  	v8 =	vld [tilespmem:s12+$0x9640];
	v3 =	vadd.f32 v6, v3  }
0x7f: {  	v5 =	vadd.f32 v7, v5;
	v11 =	vld [tilespmem:s12+$0x9650];
	v6 =	vadd.f32 v15, v9  }
0x80: {  	v2 =	vadd.f32 v4, v2;
	v7 =	vld [tilespmem:s12+$0x9660]  }
0x81: {  	v15 =	vld [tilespmem:s12+$0x9680];
	v5 =	vadd.f32 v6, v5  }
0x82: {  	v6 =	vld [tilespmem:s12+$0x9690]  }
0x83: {  	v4 =	vld [tilespmem:s12+$0x96A0];
	v10 =	vadd.f32 v8, v13;
	v0 =	vadd.f32 v5, v0  }
0x84: {  	v16 =	vld [tilespmem:s12+$0x96C0];
	v11 =	vadd.f32 v11, v12  }
.Ltmp1:
0x85: {  	v13 =	vld [tilespmem:s12+$0x96D0];
	v8 =	vadd.f32 v7, v14;
	(pc) =	sbr.rel @p0 .LBB2_5-.Ltmp1, $4  }
0x86: {  	v12 =	vld [tilespmem:s12+$0x96E0];
	s12 =	sshra.s32 s14, $0x2  }
0x87: {  	v5 =	vld [tilespmem:s12+$0x9630]  }
0x88: {  	v7 =	vld [tilespmem:s12+$0x9670]  }
0x89: {  	s14 =	sadd.s32 $0x400, s14;
	v9 =	vld [tilespmem:s12+$0x96B0];
	v14 =	vadd.f32 v16, v15  }
0x8a: {  	v15 =	vld [tilespmem:s12+$0x96F0]  }
0x8b: {  	v16 =	vld [tilespmem:s12+$0x9600]  }
0x8c: {  	v17 =	vld [tilespmem:s12+$0x9610]  }
0x8d: {  	v18 =	vld [tilespmem:s12+$0x9620]  }
0x8e: {  	v19 =	vld [tilespmem:s12+$0x9640]  }
0x8f: {  	v20 =	vld [tilespmem:s12+$0x9650]  }
0x90: {  	v21 =	vld [tilespmem:s12+$0x9660]  }
0x91: {  	v22 =	vld [tilespmem:s12+$0x9680]  }
0x92: {  	v23 =	vld [tilespmem:s12+$0x9690];
	v6 =	vadd.f32 v13, v6  }
0x93: {  	v13 =	vld [tilespmem:s12+$0x96A0];
	v10 =	vadd.f32 v14, v10;
	v4 =	vadd.f32 v12, v4  }
0x94: {  	v12 =	vld [tilespmem:s12+$0x96C0];
	v6 =	vadd.f32 v6, v11  }
0x95: {  	v11 =	vld [tilespmem:s12+$0x96D0];
	v1 =	vadd.f32 v10, v1;
	v4 =	vadd.f32 v4, v8  }
0x96: {  	v8 =	vld [tilespmem:s12+$0x96E0];
	v5 =	vadd.f32 v7, v5;
	v3 =	vadd.f32 v6, v3  }
0x97: {  	v6 =	vadd.f32 v15, v9;
	v7 =	vadd.f32 v19, v16  }
0x98: {  	v9 =	vadd.f32 v20, v17;
	v2 =	vadd.f32 v4, v2  }
0x99: {  	v10 =	vadd.f32 v12, v22;
	v12 =	vadd.f32 v21, v18  }
0x9a: {  	v11 =	vadd.f32 v11, v23;
	v5 =	vadd.f32 v6, v5  }
0x9b: {  	v7 =	vadd.f32 v10, v7;
	v8 =	vadd.f32 v8, v13  }
0x9c: {  	v4 =	vadd.f32 v11, v9;
	v0 =	vadd.f32 v5, v0  }
0x9d: {  	s14 =	smin.u32 s0, $0x7A;
	v1 =	vadd.f32 v7, v1;
	v7 =	vadd.f32 v8, v12  }
0x9e: {  	s12 =	smul.u32 $0x320, s14;
	v3 =	vadd.f32 v4, v3;
	[tilespmem:s1+$0x12C70] =	vst v0  }
0x9f: {  	v2 =	vadd.f32 v7, v2;
	[tilespmem:s1+$0x12C40] =	vst v1  }
0xa0: {  	s12 =	sshrl.u32 s12, $0x2;
	[tilespmem:s1+$0x12C50] =	vst v3  }
0xa1: {  	s14 =	sadd.s32 $0x3E8, s12;
	[tilespmem:s1+$0x12C60] =	vst v2  }
0xa2: {  	[tilespmem:s13], [sflag:$0x2] =	stream.indirect.gather [hbm4b:s3+s8], $0x40, s14, s8, $0xb8;
	[tilespmem:$0x14C00] =	vst v63  }
0xa3: {  	s12 =	sadd.s32 $0x468, s12  }
0xa4: {  	[tilespmem:s15], [sflag:$0x2] =	stream.indirect.gather [hbm4b:s3+s10], $0x40, s12, s10, $0xb8;
	[tilespmem:$0x14C00] =	vst v63  }
0xa5: {  	_ =	swait.ge [sflag:s26], $0x3200  }
0xa6: {  	[sflag:s26] =	ssyncset.done $0x0  }
0xa7: {  	s14 =	simm.s32 $0x0;
	[sflag:s26] =	ssyncadd.s32 $0xFFFFCE00  }
0xa8: {  	v0 =	vld [tilespmem:s14+$0xC830]  }
0xa9: {  	v1 =	vld [tilespmem:s14+$0xC870]  }
0xaa: {  	v2 =	vld [tilespmem:s14+$0xC8B0]  }
0xab: {  	v3 =	vld [tilespmem:s14+$0xC8F0]  }
0xac: {  	v5 =	vld [tilespmem:s14+$0xC800]  }
0xad: {  	v7 =	vld [tilespmem:s14+$0xC810]  }
0xae: {  	v8 =	vld [tilespmem:s14+$0xC820]  }
0xaf: {  	v9 =	vld [tilespmem:s14+$0xC840]  }
0xb0: {  	v11 =	vld [tilespmem:s14+$0xC850]  }
0xb1: {  	v14 =	vld [tilespmem:s14+$0xC860]  }
0xb2: {  	v15 =	vld [tilespmem:s14+$0xC880]  }
0xb3: {  	v6 =	vld [tilespmem:s14+$0xC890]  }
0xb4: {  	v4 =	vld [tilespmem:s14+$0xC8A0]  }
0xb5: {  	v0 =	vadd.f32 v1, v0;
	v1 =	vadd.f32 v3, v2;
	v2 =	vld [tilespmem:s14+$0xC8C0]  }
0xb6: {  	v13 =	vld [tilespmem:s14+$0xC8D0]  }
0xb7: {  	s12 =	simm.s32 $0x100;
	v12 =	vld [tilespmem:s14+$0xC8E0];
	v10 =	vadd.f32 v9, v5  }
0xb8: {  	v5 =	vld [tilespmem:s12+$0xC830];
	v11 =	vadd.f32 v11, v7;
	v0 =	vadd.f32 v1, v0  }
0xb9: {  	v8 =	vadd.f32 v14, v8;
	v7 =	vld [tilespmem:s12+$0xC870];
	v3 =	vimm.f32 $0.0e+00;
	v1 =	vimm.f32 $0.0e+00  }
0xba: {  	v9 =	vld [tilespmem:s12+$0xC8B0];
	s14 =	simm.s32 $0x800;
	v0 =	vadd.f32 v0, v1;
	v14 =	vadd.f32 v2, v15;
	v2 =	vimm.f32 $0.0e+00  }
.LBB2_7:
0xbb: {  	p0 =	sne.s32 s14, $0xC400;
	v15 =	vld [tilespmem:s12+$0xC8F0];
	v6 =	vadd.f32 v13, v6  }
0xbc: {  	v13 =	vld [tilespmem:s12+$0xC800];
	v10 =	vadd.f32 v14, v10;
	v4 =	vadd.f32 v12, v4  }
0xbd: {  	v12 =	vld [tilespmem:s12+$0xC810];
	v6 =	vadd.f32 v6, v11  }
0xbe: {  	v14 =	vld [tilespmem:s12+$0xC820];
	v1 =	vadd.f32 v10, v1;
	v4 =	vadd.f32 v4, v8  }
0xbf: {  	v8 =	vld [tilespmem:s12+$0xC840];
	v3 =	vadd.f32 v6, v3  }
0xc0: {  	v5 =	vadd.f32 v7, v5;
	v11 =	vld [tilespmem:s12+$0xC850];
	v6 =	vadd.f32 v15, v9  }
0xc1: {  	v2 =	vadd.f32 v4, v2;
	v7 =	vld [tilespmem:s12+$0xC860]  }
0xc2: {  	v15 =	vld [tilespmem:s12+$0xC880];
	v5 =	vadd.f32 v6, v5  }
0xc3: {  	v6 =	vld [tilespmem:s12+$0xC890]  }
0xc4: {  	v4 =	vld [tilespmem:s12+$0xC8A0];
	v10 =	vadd.f32 v8, v13;
	v0 =	vadd.f32 v5, v0  }
0xc5: {  	v16 =	vld [tilespmem:s12+$0xC8C0];
	v11 =	vadd.f32 v11, v12  }
.Ltmp2:
0xc6: {  	v13 =	vld [tilespmem:s12+$0xC8D0];
	v8 =	vadd.f32 v7, v14;
	(pc) =	sbr.rel @p0 .LBB2_7-.Ltmp2, $4  }
0xc7: {  	v12 =	vld [tilespmem:s12+$0xC8E0];
	s12 =	sshra.s32 s14, $0x2  }
0xc8: {  	v5 =	vld [tilespmem:s12+$0xC830]  }
0xc9: {  	v7 =	vld [tilespmem:s12+$0xC870]  }
0xca: {  	s14 =	sadd.s32 $0x400, s14;
	v9 =	vld [tilespmem:s12+$0xC8B0];
	v14 =	vadd.f32 v16, v15  }
0xcb: {  	v15 =	vld [tilespmem:s12+$0xC8F0]  }
0xcc: {  	v16 =	vld [tilespmem:s12+$0xC800]  }
0xcd: {  	v17 =	vld [tilespmem:s12+$0xC810]  }
0xce: {  	v18 =	vld [tilespmem:s12+$0xC820]  }
0xcf: {  	v19 =	vld [tilespmem:s12+$0xC840]  }
0xd0: {  	v20 =	vld [tilespmem:s12+$0xC850]  }
0xd1: {  	v21 =	vld [tilespmem:s12+$0xC860]  }
0xd2: {  	v22 =	vld [tilespmem:s12+$0xC880]  }
0xd3: {  	v23 =	vld [tilespmem:s12+$0xC890];
	v6 =	vadd.f32 v13, v6  }
0xd4: {  	v13 =	vld [tilespmem:s12+$0xC8A0];
	v10 =	vadd.f32 v14, v10;
	v4 =	vadd.f32 v12, v4  }
0xd5: {  	v12 =	vld [tilespmem:s12+$0xC8C0];
	v6 =	vadd.f32 v6, v11  }
0xd6: {  	v11 =	vld [tilespmem:s12+$0xC8D0];
	v1 =	vadd.f32 v10, v1;
	v4 =	vadd.f32 v4, v8  }
0xd7: {  	v8 =	vld [tilespmem:s12+$0xC8E0];
	v5 =	vadd.f32 v7, v5;
	v3 =	vadd.f32 v6, v3  }
0xd8: {  	v6 =	vadd.f32 v15, v9;
	v7 =	vadd.f32 v19, v16  }
0xd9: {  	v9 =	vadd.f32 v20, v17;
	v2 =	vadd.f32 v4, v2  }
0xda: {  	v10 =	vadd.f32 v12, v22;
	v12 =	vadd.f32 v21, v18  }
0xdb: {  	v11 =	vadd.f32 v11, v23;
	v5 =	vadd.f32 v6, v5  }
0xdc: {  	v7 =	vadd.f32 v10, v7;
	v8 =	vadd.f32 v8, v13  }
0xdd: {  	v4 =	vadd.f32 v11, v9;
	v0 =	vadd.f32 v5, v0  }
0xde: {  	s14 =	smin.u32 s0, $0x79;
	v1 =	vadd.f32 v7, v1;
	v7 =	vadd.f32 v8, v12  }
0xdf: {  	s12 =	smul.u32 $0x320, s14;
	v3 =	vadd.f32 v4, v3;
	[tilespmem:s1+$0x12CB0] =	vst v0  }
0xe0: {  	v2 =	vadd.f32 v7, v2;
	[tilespmem:s1+$0x12C80] =	vst v1  }
0xe1: {  	s12 =	sshrl.u32 s12, $0x2;
	[tilespmem:s1+$0x12C90] =	vst v3  }
0xe2: {  	s14 =	sadd.s32 $0x4B0, s12;
	[tilespmem:s1+$0x12CA0] =	vst v2  }
0xe3: {  	[tilespmem:s17], [sflag:$0x3] =	stream.indirect.gather [hbm4b:s3+s8], $0x40, s14, s8, $0xb8;
	[tilespmem:$0x14C00] =	vst v63  }
0xe4: {  	s12 =	sadd.s32 $0x530, s12  }
0xe5: {  	[tilespmem:s19], [sflag:$0x3] =	stream.indirect.gather [hbm4b:s3+s10], $0x40, s12, s10, $0xb8;
	[tilespmem:$0x14C00] =	vst v63  }
0xe6: {  	_ =	swait.ge [sflag:s28], $0x3200  }
0xe7: {  	[sflag:s28] =	ssyncset.done $0x0  }
0xe8: {  	s14 =	simm.s32 $0x0;
	[sflag:s28] =	ssyncadd.s32 $0xFFFFCE00  }
0xe9: {  	v0 =	vld [tilespmem:s14+$0xFA30]  }
0xea: {  	v1 =	vld [tilespmem:s14+$0xFA70]  }
0xeb: {  	v2 =	vld [tilespmem:s14+$0xFAB0]  }
0xec: {  	v3 =	vld [tilespmem:s14+$0xFAF0]  }
0xed: {  	v5 =	vld [tilespmem:s14+$0xFA00]  }
0xee: {  	v7 =	vld [tilespmem:s14+$0xFA10]  }
0xef: {  	v8 =	vld [tilespmem:s14+$0xFA20]  }
0xf0: {  	v9 =	vld [tilespmem:s14+$0xFA40]  }
0xf1: {  	v11 =	vld [tilespmem:s14+$0xFA50]  }
0xf2: {  	v14 =	vld [tilespmem:s14+$0xFA60]  }
0xf3: {  	v15 =	vld [tilespmem:s14+$0xFA80]  }
0xf4: {  	v6 =	vld [tilespmem:s14+$0xFA90]  }
0xf5: {  	v4 =	vld [tilespmem:s14+$0xFAA0]  }
0xf6: {  	v0 =	vadd.f32 v1, v0;
	v1 =	vadd.f32 v3, v2;
	v2 =	vld [tilespmem:s14+$0xFAC0]  }
0xf7: {  	v13 =	vld [tilespmem:s14+$0xFAD0]  }
0xf8: {  	s12 =	simm.s32 $0x100;
	v12 =	vld [tilespmem:s14+$0xFAE0];
	v10 =	vadd.f32 v9, v5  }
0xf9: {  	v5 =	vld [tilespmem:s12+$0xFA30];
	v11 =	vadd.f32 v11, v7;
	v0 =	vadd.f32 v1, v0  }
0xfa: {  	v8 =	vadd.f32 v14, v8;
	v7 =	vld [tilespmem:s12+$0xFA70];
	v3 =	vimm.f32 $0.0e+00;
	v1 =	vimm.f32 $0.0e+00  }
0xfb: {  	v9 =	vld [tilespmem:s12+$0xFAB0];
	s14 =	simm.s32 $0x800;
	v0 =	vadd.f32 v0, v1;
	v14 =	vadd.f32 v2, v15;
	v2 =	vimm.f32 $0.0e+00  }
.LBB2_9:
0xfc: {  	p0 =	sne.s32 s14, $0xC400;
	v15 =	vld [tilespmem:s12+$0xFAF0];
	v6 =	vadd.f32 v13, v6  }
0xfd: {  	v13 =	vld [tilespmem:s12+$0xFA00];
	v10 =	vadd.f32 v14, v10;
	v4 =	vadd.f32 v12, v4  }
0xfe: {  	v12 =	vld [tilespmem:s12+$0xFA10];
	v6 =	vadd.f32 v6, v11  }
0xff: {  	v14 =	vld [tilespmem:s12+$0xFA20];
	v1 =	vadd.f32 v10, v1;
	v4 =	vadd.f32 v4, v8  }
0x100: {  	v8 =	vld [tilespmem:s12+$0xFA40];
	v3 =	vadd.f32 v6, v3  }
0x101: {  	v5 =	vadd.f32 v7, v5;
	v11 =	vld [tilespmem:s12+$0xFA50];
	v6 =	vadd.f32 v15, v9  }
0x102: {  	v2 =	vadd.f32 v4, v2;
	v7 =	vld [tilespmem:s12+$0xFA60]  }
0x103: {  	v15 =	vld [tilespmem:s12+$0xFA80];
	v5 =	vadd.f32 v6, v5  }
0x104: {  	v6 =	vld [tilespmem:s12+$0xFA90]  }
0x105: {  	v4 =	vld [tilespmem:s12+$0xFAA0];
	v10 =	vadd.f32 v8, v13;
	v0 =	vadd.f32 v5, v0  }
0x106: {  	v16 =	vld [tilespmem:s12+$0xFAC0];
	v11 =	vadd.f32 v11, v12  }
.Ltmp3:
0x107: {  	v13 =	vld [tilespmem:s12+$0xFAD0];
	v8 =	vadd.f32 v7, v14;
	(pc) =	sbr.rel @p0 .LBB2_9-.Ltmp3, $4  }
0x108: {  	v12 =	vld [tilespmem:s12+$0xFAE0];
	s12 =	sshra.s32 s14, $0x2  }
0x109: {  	v5 =	vld [tilespmem:s12+$0xFA30]  }
0x10a: {  	v7 =	vld [tilespmem:s12+$0xFA70]  }
0x10b: {  	s14 =	sadd.s32 $0x400, s14;
	v9 =	vld [tilespmem:s12+$0xFAB0];
	v14 =	vadd.f32 v16, v15  }
0x10c: {  	v15 =	vld [tilespmem:s12+$0xFAF0]  }
0x10d: {  	v16 =	vld [tilespmem:s12+$0xFA00]  }
0x10e: {  	v17 =	vld [tilespmem:s12+$0xFA10]  }
0x10f: {  	v18 =	vld [tilespmem:s12+$0xFA20]  }
0x110: {  	v19 =	vld [tilespmem:s12+$0xFA40]  }
0x111: {  	v20 =	vld [tilespmem:s12+$0xFA50]  }
0x112: {  	v21 =	vld [tilespmem:s12+$0xFA60]  }
0x113: {  	v22 =	vld [tilespmem:s12+$0xFA80]  }
0x114: {  	v23 =	vld [tilespmem:s12+$0xFA90]  }
0x115: {  	v6 =	vadd.f32 v13, v6;
	v53 =	vld [tilespmem:s12+$0xFAA0]  }
0x116: {  	v54 =	vld [tilespmem:s12+$0xFAC0];
	v10 =	vadd.f32 v14, v10;
	v4 =	vadd.f32 v12, v4  }
0x117: {  	v55 =	vld [tilespmem:s12+$0xFAD0];
	v6 =	vadd.f32 v6, v11  }
0x118: {  	v56 =	vld [tilespmem:s12+$0xFAE0];
	v1 =	vadd.f32 v10, v1;
	v4 =	vadd.f32 v4, v8  }
0x119: {  	v5 =	vadd.f32 v7, v5;
	v3 =	vadd.f32 v6, v3  }
0x11a: {  	v57 =	vadd.f32 v15, v9;
	v58 =	vadd.f32 v19, v16  }
0x11b: {  	v59 =	vadd.f32 v20, v17;
	v60 =	vadd.f32 v54, v22  }
0x11c: {  	v61 =	vadd.f32 v21, v18;
	v11 =	vadd.f32 v55, v23  }
0x11d: {  	v8 =	vadd.f32 v56, v53;
	v7 =	vadd.f32 v60, v58  }
0x11e: {  	v2 =	vadd.f32 v4, v2;
	v62 =	vadd.f32 v11, v59  }
0x11f: {  	v63 =	vadd.f32 v8, v61;
	v1 =	vadd.f32 v7, v1  }
0x120: {  	s0 =	smin.u32 s0, $0x78;
	v5 =	vadd.f32 v57, v5;
	v3 =	vadd.f32 v62, v3  }
0x121: {  	s31 =	sadd.s32 $0x1, s31;
	s0 =	smul.u32 $0x320, s0;
	v2 =	vadd.f32 v63, v2;
	[tilespmem:s1+$0x12CC0] =	vst v1  }
0x122: {  	p0 =	sne.s32 s31, $0x20;
	v0 =	vadd.f32 v5, v0;
	[tilespmem:s1+$0x12CD0] =	vst v3  }
.Ltmp4:
0x123: {  	s0 =	sshrl.u32 s0, $0x2;
	[tilespmem:s1+$0x12CE0] =	vst v2;
	(pc) =	sbr.rel @p0 .LBB2_2-.Ltmp4, $4  }
0x124: {  	s14 =	sadd.s32 $0x578, s0;
	[tilespmem:s1+$0x12CF0] =	vst v0  }
0x125: {  	[tilespmem:s21], [sflag:$0x4] =	stream.indirect.gather [hbm4b:s3+s8], $0x40, s14, s8, $0xb8;
	[tilespmem:$0x14C00] =	vst v63  }
0x126: {  	s0 =	sadd.s32 $0x5F8, s0  }
0x127: {  	[tilespmem:s23], [sflag:$0x4] =	stream.indirect.gather [hbm4b:s3+s10], $0x40, s0, s10, $0xb8;
	[tilespmem:$0x14C00] =	vst v63  }
0x128: {  	_ =	swait.ge [sflag:s24], $0x3200  }
0x129: {  	[sflag:s24] =	ssyncset.done $0x0  }
0x12a: {  	[sflag:s24] =	ssyncadd.s32 $0xFFFFCE00  }
0x12b: {  	_ =	swait.ge [sflag:s25], $0x3200  }
0x12c: {  	[sflag:s25] =	ssyncset.done $0x0  }
0x12d: {  	[sflag:s25] =	ssyncadd.s32 $0xFFFFCE00  }
0x12e: {  	_ =	swait.ge [sflag:s26], $0x3200  }
0x12f: {  	[sflag:s26] =	ssyncset.done $0x0  }
0x130: {  	[sflag:s26] =	ssyncadd.s32 $0xFFFFCE00  }
0x131: {  	s30 =	sadd.s32 $0x1, s30;
	_ =	swait.ge [sflag:s28], $0x3200  }
0x132: {  	p0 =	sne.s32 s30, s6;
	[sflag:s28] =	ssyncset.done $0x0  }
.Ltmp5:
0x133: {  	[sflag:s28] =	ssyncadd.s32 $0xFFFFCE00;
	(pc) =	sbr.rel @p0 .LBB2_1-.Ltmp5, $4  }
0x134: {  	[hbm4b:s5+s2] =	stream.linear.scatter [tilespmem:s29], [sflag:$0x5], $0x2000, $0x38;
	[tilespmem:$0x14C00] =	vst v63  }
0x135: {  	_ =	swait.ge [sflag:s7], $0x2000  }
0x136: {  	[sflag:s7] =	ssyncset.done $0x0  }
0x137: {  	[sflag:s7] =	ssyncadd.s32 $0xFFFFE000  }
0x138: {  	_ =	sfence.sel $0x180000  }
0x139: {  	[bflag:$0x0] =	sbarrier.arrive $0xFFFF  }
0x13a: {  	_ =	strace $0x90000047  }
0x13b: {  	s0 =	stileid.u32;
	[bflag:$0x2] =	sbarrier.arrive $0xFFFF  }
0x13c: {  	p0 =	sne.s32 s0, $0x0;
	s0 =	rddreg [dreg:$0x1]  }
0x13d: {  	s0 =	sadd.s32 @!p0 $0x100000, s0  }
0x13e: {  	[sflag:s0] =	ssyncadd.tile.s32 @!p0 $0x1;
	_ =	shalt  }
.Lfunc_end2:
_tile_overlayer_lowered:
.L_overlay_start_2:
0x13f: {  	(tag) =	ssettag $0x2  }
0x140: {  	s0 =	rddreg [dreg:$0x0];
	s2 =	stileid.u32  }
0x141: {  	s1 =	rddreg [dreg:$0x1];
	p0 =	sne.s32 s2, $0x0  }
0x142: {  	s3 =	rddreg [dreg:$0x2];
	[bflag:$0x3] =	sbarrier.arrive $0xFFFF;
	s2 =	simm.s32 @!p0 $0x1C05  }
0x143: {  	[timem:s3], [sflag:s2] =	dma.local @!p0 [hbm:s0], s1  }
0x144: {  	s0 =	simm.s32 @!p0 $0x5  }
0x145: {  	_ =	swait.ge @!p0 [sflag:s0], s1  }
0x146: {  	s1 =	ssub.s32 @!p0 $0x0, s1;
	[sflag:s0] =	ssyncset.done @!p0 $0x0  }
0x147: {  	[sflag:s0] =	ssyncadd.s32 @!p0 s1  }
0x148: {  	[bflag:$0x3] =	sbarrier.arrive $0xFFFF  }
0x149: {  	_ =	shalt  }

</sc_bundles>
